<compile_context>
chip_gen: v7x
topology: tpu7x:2x2x1
jax: 0.10.2.dev20260603
libtpu: 0.0.44.dev20260713+nightly
codegen_flags: <defaults>
</compile_context>

<pallas_src>
import functools

import jax
import jax.numpy as jnp
from jax import lax
from jax.experimental import pallas as pl
from jax.experimental.pallas import tpu as pltpu
from jax.experimental.pallas import tpu_sc as plsc

_NUM_OBJS = 100000
_NUM_COLORS = 256
_N = _NUM_OBJS * _NUM_COLORS

_NUM_TILES = 32
_PER_TILE = _N // _NUM_TILES
_CHUNK = 6_400
_NBUF = 5
_VECS = _CHUNK // 16
_UNROLL = 8
_NCHUNK = _PER_TILE // _CHUNK
_BIG_I32 = 2**31 - 1

_MESH = plsc.VectorSubcoreMesh(core_axis_name="c", subcore_axis_name="s")


@functools.partial(
    pl.kernel,
    mesh=_MESH,
    out_type=(
        jax.ShapeDtypeStruct((_NUM_TILES, 16), jnp.float32),
        jax.ShapeDtypeStruct((_NUM_TILES, 16), jnp.int32),
    ),
    scratch_types=(
        [pltpu.VMEM((_CHUNK,), jnp.float32) for _ in range(2 * _NBUF)]
        + [
            pltpu.VMEM((16,), jnp.float32),
            pltpu.VMEM((16,), jnp.int32),
            pltpu.SemaphoreType.DMA((_NBUF,)),
            pltpu.SemaphoreType.DMA((_NBUF,)),
        ]
    ),
    compiler_params=pltpu.CompilerParams(needs_layout_passes=False),
)
def _scan(x_hbm, m_hbm, pmax_hbm, pidx_hbm, *_scr):
    xb = list(_scr[:_NBUF])
    mb = list(_scr[_NBUF:2 * _NBUF])
    stage_f, stage_i, sx, sm = _scr[2 * _NBUF:]
    wid = lax.axis_index("c") * 16 + lax.axis_index("s")
    iota = lax.iota(jnp.int32, 16)

    def chunk_off(g):
        return (g * _NUM_TILES + wid) * _CHUNK

    def start_chunk(g, b):
        off = chunk_off(g)
        pltpu.async_copy(x_hbm.at[pl.ds(off, _CHUNK)], xb[b], sx.at[b])
        pltpu.async_copy(m_hbm.at[pl.ds(off, _CHUNK)], mb[b], sm.at[b])

    def wait_chunk(g, b):
        off = chunk_off(g)
        pltpu.make_async_copy(x_hbm.at[pl.ds(off, _CHUNK)], xb[b], sx.at[b]).wait()
        pltpu.make_async_copy(m_hbm.at[pl.ds(off, _CHUNK)], mb[b], sm.at[b]).wait()

    for b in range(_NBUF - 1):
        start_chunk(b, b)

    ninf = jnp.full((16,), -jnp.inf, jnp.float32)
    zero_i = jnp.zeros((16,), jnp.int32)
    init = tuple([ninf] * _UNROLL) + tuple([zero_i] * _UNROLL)

    def consume(g, b, carry, refill):
        if refill:
            @pl.when(g + _NBUF - 1 < _NCHUNK)
            def _():
                start_chunk(g + _NBUF - 1, (b + _NBUF - 1) % _NBUF)
        wait_chunk(g, b)

        gbase = chunk_off(g)

        def inner(j, c):
            vms = list(c[:_UNROLL])
            vis = list(c[_UNROLL:])
            jb = j * (16 * _UNROLL)
            ivec = gbase + jb + iota
            for u in range(_UNROLL):
                o = jb + u * 16
                v = xb[b][pl.ds(o, 16)] * mb[b][pl.ds(o, 16)]
                cur = ivec + (u * 16)
                p = v > vms[u]
                vms[u] = jnp.where(p, v, vms[u])
                vis[u] = jnp.where(p, cur, vis[u])
            return tuple(vms) + tuple(vis)

        return lax.fori_loop(0, _VECS // _UNROLL, inner, carry)

    def outer(g2, carry):
        for b in range(_NBUF):
            carry = consume(g2 * _NBUF + b, b, carry, refill=True)
        return carry

    acc = lax.fori_loop(0, _NCHUNK // _NBUF, outer, init)
    _G0 = (_NCHUNK // _NBUF) * _NBUF
    for _r in range(_NCHUNK % _NBUF):
        acc = consume(_G0 + _r, _r, acc, refill=(_G0 + _r + _NBUF - 1 < _NCHUNK))

    vm, vi = acc[0], acc[_UNROLL]
    for a in range(1, _UNROLL):
        v2, i2 = acc[a], acc[_UNROLL + a]
        p = (v2 > vm) | ((v2 == vm) & (i2 < vi))
        vm = jnp.where(p, v2, vm)
        vi = jnp.where(p, i2, vi)
    mx = jnp.max(vm)
    gidx = jnp.min(jnp.where(vm == mx, vi, _BIG_I32))

    stage_f[...] = jnp.full((16,), mx, jnp.float32)
    stage_i[...] = jnp.full((16,), gidx, jnp.int32)
    pltpu.sync_copy(stage_f, pmax_hbm.at[wid])
    pltpu.sync_copy(stage_i, pidx_hbm.at[wid])


def _merge_body(x_hbm, pm_ref, pi_ref, out_ref, child, sem):
    pm = pm_ref[...]
    pi = pi_ref[...]
    mx = jnp.max(pm)
    gidx = jnp.min(jnp.where(pm == mx, pi, _BIG_I32))

    child_obj = ((gidx // _NUM_COLORS) + 1) % _NUM_OBJS
    copy = pltpu.make_async_copy(
        x_hbm.at[pl.ds(child_obj * _NUM_COLORS, _NUM_COLORS)], child, sem
    )
    copy.start()
    copy.wait()

    cv = child[...].reshape(1, _NUM_COLORS)
    iota_l = lax.broadcasted_iota(jnp.int32, (1, _NUM_COLORS), 1)
    cmx = jnp.max(cv)
    cidx = jnp.min(jnp.where(cv == cmx, iota_l, _BIG_I32))
    cnew = (cidx + 1) % _NUM_COLORS
    out_ref[...] = (iota_l == cnew).astype(jnp.float32)


def _merge(x1d, pmax, pidx):
    return pl.pallas_call(
        _merge_body,
        out_shape=jax.ShapeDtypeStruct((1, _NUM_COLORS), jnp.float32),
        in_specs=[
            pl.BlockSpec(memory_space=pltpu.HBM),
            pl.BlockSpec(memory_space=pltpu.VMEM),
            pl.BlockSpec(memory_space=pltpu.VMEM),
        ],
        out_specs=pl.BlockSpec(memory_space=pltpu.VMEM),
        scratch_shapes=[
            pltpu.VMEM((_NUM_COLORS,), jnp.float32),
            pltpu.SemaphoreType.DMA,
        ],
    )(x1d, pmax, pidx)


def kernel(x, mask):
    xf = x.reshape(_N)
    mf = mask.reshape(_N)
    pmax, pidx = _scan(xf, mf)
    out = _merge(xf, pmax, pidx)
    return out.reshape(_NUM_COLORS)

# --- scband reference (transcript-rebuilt; emitter-appended) ---
"""Pipeline reference for scband-mlp-25847113187476 (READ-ONLY COPY).

The authoritative reference and input builder live on the scoring server;
editing this copy changes nothing except your own understanding.
"""

import jax, jax.numpy as jnp
import numpy as np

NUM_OBJS = 100000
NUM_COLORS = 256
N = NUM_OBJS * NUM_COLORS


def setup_inputs(seed: int = 0) -> dict:
    key = jax.random.key(seed)
    k1, k2 = jax.random.split(key)
    x = jax.random.normal(k1, (1, N), dtype=jnp.float32)
    mask = jax.random.uniform(k2, (1, N), dtype=jnp.float32)
    return {"x": x, "mask": mask}


def reference(x, mask):
    x_masked = x * mask
    idx = jnp.argmax(x_masked)
    obj_id = idx // NUM_COLORS
    color_id = idx % NUM_COLORS  # computed in original forward, unused downstream
    obj_child_id = (obj_id + 1) % NUM_OBJS
    start = obj_child_id * NUM_COLORS
    color_child = jax.lax.dynamic_slice(x[0], (start,), (NUM_COLORS,))
    color_child_id = jnp.argmax(color_child)
    color_child_id = (color_child_id + 1) % NUM_COLORS
    color_child_new = jnp.zeros((NUM_COLORS,), dtype=jnp.float32).at[color_child_id].set(1.0)
    return color_child_new

if __name__ == "__main__":
    import jax
    _d = setup_inputs()
    print(jax.jit(kernel)(*tuple(_d.values())))

</pallas_src>

<mosaic_0001>
#map = affine_map<(d0, d1) -> (0)>
#map1 = affine_map<(d0, d1) -> (0, 0)>
module attributes {stable_mosaic.version = 14 : i64} {
  func.func @_scan(%arg0: i32, %arg1: i32, %arg2: memref<25600000xf32, #tpu.memory_space<hbm>>, %arg3: memref<25600000xf32, #tpu.memory_space<hbm>>, %arg4: memref<32x16xf32, #tpu.memory_space<hbm>>, %arg5: memref<32x16xi32, #tpu.memory_space<hbm>>, %arg6: memref<6400xf32, #tpu.memory_space<vmem>>, %arg7: memref<6400xf32, #tpu.memory_space<vmem>>, %arg8: memref<6400xf32, #tpu.memory_space<vmem>>, %arg9: memref<6400xf32, #tpu.memory_space<vmem>>, %arg10: memref<6400xf32, #tpu.memory_space<vmem>>, %arg11: memref<6400xf32, #tpu.memory_space<vmem>>, %arg12: memref<6400xf32, #tpu.memory_space<vmem>>, %arg13: memref<6400xf32, #tpu.memory_space<vmem>>, %arg14: memref<6400xf32, #tpu.memory_space<vmem>>, %arg15: memref<6400xf32, #tpu.memory_space<vmem>>, %arg16: memref<16xf32, #tpu.memory_space<vmem>>, %arg17: memref<16xi32, #tpu.memory_space<vmem>>, %arg18: memref<5x!tpu.dma_semaphore, #tpu.memory_space<semaphore_mem>>, %arg19: memref<5x!tpu.dma_semaphore, #tpu.memory_space<semaphore_mem>>) attributes {dimension_semantics = [#tpu.dimension_semantics<core_parallel>, #tpu.dimension_semantics<subcore_parallel>], iteration_bounds = array<i64: 2, 16>, scalar_prefetch = 0 : i64, scratch_operands = 14 : i64, tpu.core_type = #tpu.core_type<sc_vector_subcore>, window_params = [{transform_indices = #map}, {transform_indices = #map}, {transform_indices = #map1}, {transform_indices = #map1}]} {
    %mul3A = arith.constant 16 : i32
    %mul3A_0 = arith.muli %arg0, %mul3A : i32
    %add3A = arith.addi %mul3A_0, %arg1 : i32
    %iota3A = tpu.iota {dimensions = array<i32: 0>} : vector<16xi32>
    %add3A_1 = arith.constant 0 : i32
    %add3A_2 = arith.addi %add3A_1, %add3A : i32
    %mul3A_3 = arith.constant 6400 : i32
    %mul3A_4 = arith.muli %add3A_2, %mul3A_3 : i32
    %dma_start3A = arith.constant 0 : i32
    %dma_start3A_5 = tpu.memref_slice %arg2[%mul3A_4] : memref<25600000xf32, #tpu.memory_space<hbm>> -> memref<6400xf32, #tpu.memory_space<hbm>>
    %dma_start3A_6 = tpu.memref_slice %arg18[%dma_start3A] : memref<5x!tpu.dma_semaphore, #tpu.memory_space<semaphore_mem>> -> memref<1x!tpu.dma_semaphore, #tpu.memory_space<semaphore_mem>>
    %dma_start3A_7 = tpu.memref_squeeze %dma_start3A_6 : memref<1x!tpu.dma_semaphore, #tpu.memory_space<semaphore_mem>> -> memref<!tpu.dma_semaphore, #tpu.memory_space<semaphore_mem>>
    %dma_start3A_8 = tpu.memref_slice %arg2[%mul3A_4] : memref<25600000xf32, #tpu.memory_space<hbm>> -> memref<6400xf32, #tpu.memory_space<hbm>>
    tpu.enqueue_dma source(%dma_start3A_8 : memref<6400xf32, #tpu.memory_space<hbm>>) target(%arg6 : memref<6400xf32, #tpu.memory_space<vmem>>) target_semaphore(%dma_start3A_7 : memref<!tpu.dma_semaphore, #tpu.memory_space<semaphore_mem>>)
    %dma_start3A_9 = arith.constant 0 : i32
    %dma_start3A_10 = tpu.memref_slice %arg3[%mul3A_4] : memref<25600000xf32, #tpu.memory_space<hbm>> -> memref<6400xf32, #tpu.memory_space<hbm>>
    %dma_start3A_11 = tpu.memref_slice %arg19[%dma_start3A_9] : memref<5x!tpu.dma_semaphore, #tpu.memory_space<semaphore_mem>> -> memref<1x!tpu.dma_semaphore, #tpu.memory_space<semaphore_mem>>
    %dma_start3A_12 = tpu.memref_squeeze %dma_start3A_11 : memref<1x!tpu.dma_semaphore, #tpu.memory_space<semaphore_mem>> -> memref<!tpu.dma_semaphore, #tpu.memory_space<semaphore_mem>>
    %dma_start3A_13 = tpu.memref_slice %arg3[%mul3A_4] : memref<25600000xf32, #tpu.memory_space<hbm>> -> memref<6400xf32, #tpu.memory_space<hbm>>
    tpu.enqueue_dma source(%dma_start3A_13 : memref<6400xf32, #tpu.memory_space<hbm>>) target(%arg11 : memref<6400xf32, #tpu.memory_space<vmem>>) target_semaphore(%dma_start3A_12 : memref<!tpu.dma_semaphore, #tpu.memory_space<semaphore_mem>>)
    %add3A_14 = arith.constant 32 : i32
    %add3A_15 = arith.addi %add3A_14, %add3A : i32
    %mul3A_16 = arith.constant 6400 : i32
    %mul3A_17 = arith.muli %add3A_15, %mul3A_16 : i32
    %dma_start3A_18 = arith.constant 1 : i32
    %dma_start3A_19 = tpu.memref_slice %arg2[%mul3A_17] : memref<25600000xf32, #tpu.memory_space<hbm>> -> memref<6400xf32, #tpu.memory_space<hbm>>
    %dma_start3A_20 = tpu.memref_slice %arg18[%dma_start3A_18] : memref<5x!tpu.dma_semaphore, #tpu.memory_space<semaphore_mem>> -> memref<1x!tpu.dma_semaphore, #tpu.memory_space<semaphore_mem>>
    %dma_start3A_21 = tpu.memref_squeeze %dma_start3A_20 : memref<1x!tpu.dma_semaphore, #tpu.memory_space<semaphore_mem>> -> memref<!tpu.dma_semaphore, #tpu.memory_space<semaphore_mem>>
    %dma_start3A_22 = tpu.memref_slice %arg2[%mul3A_17] : memref<25600000xf32, #tpu.memory_space<hbm>> -> memref<6400xf32, #tpu.memory_space<hbm>>
    tpu.enqueue_dma source(%dma_start3A_22 : memref<6400xf32, #tpu.memory_space<hbm>>) target(%arg7 : memref<6400xf32, #tpu.memory_space<vmem>>) target_semaphore(%dma_start3A_21 : memref<!tpu.dma_semaphore, #tpu.memory_space<semaphore_mem>>)
    %dma_start3A_23 = arith.constant 1 : i32
    %dma_start3A_24 = tpu.memref_slice %arg3[%mul3A_17] : memref<25600000xf32, #tpu.memory_space<hbm>> -> memref<6400xf32, #tpu.memory_space<hbm>>
    %dma_start3A_25 = tpu.memref_slice %arg19[%dma_start3A_23] : memref<5x!tpu.dma_semaphore, #tpu.memory_space<semaphore_mem>> -> memref<1x!tpu.dma_semaphore, #tpu.memory_space<semaphore_mem>>
    %dma_start3A_26 = tpu.memref_squeeze %dma_start3A_25 : memref<1x!tpu.dma_semaphore, #tpu.memory_space<semaphore_mem>> -> memref<!tpu.dma_semaphore, #tpu.memory_space<semaphore_mem>>
    %dma_start3A_27 = tpu.memref_slice %arg3[%mul3A_17] : memref<25600000xf32, #tpu.memory_space<hbm>> -> memref<6400xf32, #tpu.memory_space<hbm>>
    tpu.enqueue_dma source(%dma_start3A_27 : memref<6400xf32, #tpu.memory_space<hbm>>) target(%arg12 : memref<6400xf32, #tpu.memory_space<vmem>>) target_semaphore(%dma_start3A_26 : memref<!tpu.dma_semaphore, #tpu.memory_space<semaphore_mem>>)
    %add3A_28 = arith.constant 64 : i32
    %add3A_29 = arith.addi %add3A_28, %add3A : i32
    %mul3A_30 = arith.constant 6400 : i32
    %mul3A_31 = arith.muli %add3A_29, %mul3A_30 : i32
    %dma_start3A_32 = arith.constant 2 : i32
    %dma_start3A_33 = tpu.memref_slice %arg2[%mul3A_31] : memref<25600000xf32, #tpu.memory_space<hbm>> -> memref<6400xf32, #tpu.memory_space<hbm>>
    %dma_start3A_34 = tpu.memref_slice %arg18[%dma_start3A_32] : memref<5x!tpu.dma_semaphore, #tpu.memory_space<semaphore_mem>> -> memref<1x!tpu.dma_semaphore, #tpu.memory_space<semaphore_mem>>
    %dma_start3A_35 = tpu.memref_squeeze %dma_start3A_34 : memref<1x!tpu.dma_semaphore, #tpu.memory_space<semaphore_mem>> -> memref<!tpu.dma_semaphore, #tpu.memory_space<semaphore_mem>>
    %dma_start3A_36 = tpu.memref_slice %arg2[%mul3A_31] : memref<25600000xf32, #tpu.memory_space<hbm>> -> memref<6400xf32, #tpu.memory_space<hbm>>
    tpu.enqueue_dma source(%dma_start3A_36 : memref<6400xf32, #tpu.memory_space<hbm>>) target(%arg8 : memref<6400xf32, #tpu.memory_space<vmem>>) target_semaphore(%dma_start3A_35 : memref<!tpu.dma_semaphore, #tpu.memory_space<semaphore_mem>>)
    %dma_start3A_37 = arith.constant 2 : i32
    %dma_start3A_38 = tpu.memref_slice %arg3[%mul3A_31] : memref<25600000xf32, #tpu.memory_space<hbm>> -> memref<6400xf32, #tpu.memory_space<hbm>>
    %dma_start3A_39 = tpu.memref_slice %arg19[%dma_start3A_37] : memref<5x!tpu.dma_semaphore, #tpu.memory_space<semaphore_mem>> -> memref<1x!tpu.dma_semaphore, #tpu.memory_space<semaphore_mem>>
    %dma_start3A_40 = tpu.memref_squeeze %dma_start3A_39 : memref<1x!tpu.dma_semaphore, #tpu.memory_space<semaphore_mem>> -> memref<!tpu.dma_semaphore, #tpu.memory_space<semaphore_mem>>
    %dma_start3A_41 = tpu.memref_slice %arg3[%mul3A_31] : memref<25600000xf32, #tpu.memory_space<hbm>> -> memref<6400xf32, #tpu.memory_space<hbm>>
    tpu.enqueue_dma source(%dma_start3A_41 : memref<6400xf32, #tpu.memory_space<hbm>>) target(%arg13 : memref<6400xf32, #tpu.memory_space<vmem>>) target_semaphore(%dma_start3A_40 : memref<!tpu.dma_semaphore, #tpu.memory_space<semaphore_mem>>)
    %add3A_42 = arith.constant 96 : i32
    %add3A_43 = arith.addi %add3A_42, %add3A : i32
    %mul3A_44 = arith.constant 6400 : i32
    %mul3A_45 = arith.muli %add3A_43, %mul3A_44 : i32
    %dma_start3A_46 = arith.constant 3 : i32
    %dma_start3A_47 = tpu.memref_slice %arg2[%mul3A_45] : memref<25600000xf32, #tpu.memory_space<hbm>> -> memref<6400xf32, #tpu.memory_space<hbm>>
    %dma_start3A_48 = tpu.memref_slice %arg18[%dma_start3A_46] : memref<5x!tpu.dma_semaphore, #tpu.memory_space<semaphore_mem>> -> memref<1x!tpu.dma_semaphore, #tpu.memory_space<semaphore_mem>>
    %dma_start3A_49 = tpu.memref_squeeze %dma_start3A_48 : memref<1x!tpu.dma_semaphore, #tpu.memory_space<semaphore_mem>> -> memref<!tpu.dma_semaphore, #tpu.memory_space<semaphore_mem>>
    %dma_start3A_50 = tpu.memref_slice %arg2[%mul3A_45] : memref<25600000xf32, #tpu.memory_space<hbm>> -> memref<6400xf32, #tpu.memory_space<hbm>>
    tpu.enqueue_dma source(%dma_start3A_50 : memref<6400xf32, #tpu.memory_space<hbm>>) target(%arg9 : memref<6400xf32, #tpu.memory_space<vmem>>) target_semaphore(%dma_start3A_49 : memref<!tpu.dma_semaphore, #tpu.memory_space<semaphore_mem>>)
    %dma_start3A_51 = arith.constant 3 : i32
    %dma_start3A_52 = tpu.memref_slice %arg3[%mul3A_45] : memref<25600000xf32, #tpu.memory_space<hbm>> -> memref<6400xf32, #tpu.memory_space<hbm>>
    %dma_start3A_53 = tpu.memref_slice %arg19[%dma_start3A_51] : memref<5x!tpu.dma_semaphore, #tpu.memory_space<semaphore_mem>> -> memref<1x!tpu.dma_semaphore, #tpu.memory_space<semaphore_mem>>
    %dma_start3A_54 = tpu.memref_squeeze %dma_start3A_53 : memref<1x!tpu.dma_semaphore, #tpu.memory_space<semaphore_mem>> -> memref<!tpu.dma_semaphore, #tpu.memory_space<semaphore_mem>>
    %dma_start3A_55 = tpu.memref_slice %arg3[%mul3A_45] : memref<25600000xf32, #tpu.memory_space<hbm>> -> memref<6400xf32, #tpu.memory_space<hbm>>
    tpu.enqueue_dma source(%dma_start3A_55 : memref<6400xf32, #tpu.memory_space<hbm>>) target(%arg14 : memref<6400xf32, #tpu.memory_space<vmem>>) target_semaphore(%dma_start3A_54 : memref<!tpu.dma_semaphore, #tpu.memory_space<semaphore_mem>>)
    %broadcast_in_dim3A = arith.constant 0xFF800000 : f32
    %broadcast_in_dim3A_56 = vector.broadcast %broadcast_in_dim3A : f32 to vector<16xf32>
    %broadcast_in_dim3A_57 = arith.constant 0 : i32
    %broadcast_in_dim3A_58 = vector.broadcast %broadcast_in_dim3A_57 : i32 to vector<16xi32>
    %scan3A = arith.constant 0 : i32
    %scan3A_59 = arith.constant 25 : i32
    %scan3A_60 = arith.addi %scan3A, %scan3A_59 : i32
    %scan3A_61 = arith.constant 1 : i32
    %scan3A_62:16 = scf.for %scan3A_126 = %scan3A to %scan3A_60 step %scan3A_61 iter_args(%scan3A_127 = %broadcast_in_dim3A_56, %scan3A_128 = %broadcast_in_dim3A_56, %scan3A_129 = %broadcast_in_dim3A_56, %scan3A_130 = %broadcast_in_dim3A_56, %scan3A_131 = %broadcast_in_dim3A_56, %scan3A_132 = %broadcast_in_dim3A_56, %scan3A_133 = %broadcast_in_dim3A_56, %scan3A_134 = %broadcast_in_dim3A_56, %scan3A_135 = %broadcast_in_dim3A_58, %scan3A_136 = %broadcast_in_dim3A_58, %scan3A_137 = %broadcast_in_dim3A_58, %scan3A_138 = %broadcast_in_dim3A_58, %scan3A_139 = %broadcast_in_dim3A_58, %scan3A_140 = %broadcast_in_dim3A_58, %scan3A_141 = %broadcast_in_dim3A_58, %scan3A_142 = %broadcast_in_dim3A_58) -> (vector<16xf32>, vector<16xf32>, vector<16xf32>, vector<16xf32>, vector<16xf32>, vector<16xf32>, vector<16xf32>, vector<16xf32>, vector<16xi32>, vector<16xi32>, vector<16xi32>, vector<16xi32>, vector<16xi32>, vector<16xi32>, vector<16xi32>, vector<16xi32>)  : i32 {
      %mul3A_143 = arith.constant 5 : i32
      %mul3A_144 = arith.muli %scan3A_126, %mul3A_143 : i32
      %add3A_145 = arith.constant 0 : i32
      %add3A_146 = arith.addi %mul3A_144, %add3A_145 : i32
      %add3A_147 = arith.constant 5 : i32
      %add3A_148 = arith.addi %add3A_146, %add3A_147 : i32
      %sub3A = arith.constant 1 : i32
      %sub3A_149 = arith.subi %add3A_148, %sub3A : i32
      %lt3A_150 = arith.constant 125 : i32
      %lt3A_151 = arith.cmpi slt, %sub3A_149, %lt3A_150 : i32
      %convert_element_type3A = arith.extui %lt3A_151 : i1 to i32
      %cond3A = arith.constant 0 : i32
      %cond3A_152 = arith.cmpi ne, %convert_element_type3A, %cond3A : i32
      scf.if %cond3A_152 {
        %add3A_334 = arith.constant 5 : i32
        %add3A_335 = arith.addi %add3A_146, %add3A_334 : i32
        %sub3A_336 = arith.constant 1 : i32
        %sub3A_337 = arith.subi %add3A_335, %sub3A_336 : i32
        %mul3A_338 = arith.constant 32 : i32
        %mul3A_339 = arith.muli %sub3A_337, %mul3A_338 : i32
        %add3A_340 = arith.addi %mul3A_339, %add3A : i32
        %mul3A_341 = arith.constant 6400 : i32
        %mul3A_342 = arith.muli %add3A_340, %mul3A_341 : i32
        %dma_start3A_343 = arith.constant 4 : i32
        %dma_start3A_344 = tpu.memref_slice %arg2[%mul3A_342] : memref<25600000xf32, #tpu.memory_space<hbm>> -> memref<6400xf32, #tpu.memory_space<hbm>>
        %dma_start3A_345 = tpu.memref_slice %arg18[%dma_start3A_343] : memref<5x!tpu.dma_semaphore, #tpu.memory_space<semaphore_mem>> -> memref<1x!tpu.dma_semaphore, #tpu.memory_space<semaphore_mem>>
        %dma_start3A_346 = tpu.memref_squeeze %dma_start3A_345 : memref<1x!tpu.dma_semaphore, #tpu.memory_space<semaphore_mem>> -> memref<!tpu.dma_semaphore, #tpu.memory_space<semaphore_mem>>
        %dma_start3A_347 = tpu.memref_slice %arg2[%mul3A_342] : memref<25600000xf32, #tpu.memory_space<hbm>> -> memref<6400xf32, #tpu.memory_space<hbm>>
        tpu.enqueue_dma source(%dma_start3A_347 : memref<6400xf32, #tpu.memory_space<hbm>>) target(%arg10 : memref<6400xf32, #tpu.memory_space<vmem>>) target_semaphore(%dma_start3A_346 : memref<!tpu.dma_semaphore, #tpu.memory_space<semaphore_mem>>)
        %dma_start3A_348 = arith.constant 4 : i32
        %dma_start3A_349 = tpu.memref_slice %arg3[%mul3A_342] : memref<25600000xf32, #tpu.memory_space<hbm>> -> memref<6400xf32, #tpu.memory_space<hbm>>
        %dma_start3A_350 = tpu.memref_slice %arg19[%dma_start3A_348] : memref<5x!tpu.dma_semaphore, #tpu.memory_space<semaphore_mem>> -> memref<1x!tpu.dma_semaphore, #tpu.memory_space<semaphore_mem>>
        %dma_start3A_351 = tpu.memref_squeeze %dma_start3A_350 : memref<1x!tpu.dma_semaphore, #tpu.memory_space<semaphore_mem>> -> memref<!tpu.dma_semaphore, #tpu.memory_space<semaphore_mem>>
        %dma_start3A_352 = tpu.memref_slice %arg3[%mul3A_342] : memref<25600000xf32, #tpu.memory_space<hbm>> -> memref<6400xf32, #tpu.memory_space<hbm>>
        tpu.enqueue_dma source(%dma_start3A_352 : memref<6400xf32, #tpu.memory_space<hbm>>) target(%arg15 : memref<6400xf32, #tpu.memory_space<vmem>>) target_semaphore(%dma_start3A_351 : memref<!tpu.dma_semaphore, #tpu.memory_space<semaphore_mem>>)
      } else {
      }
      %mul3A_153 = arith.constant 32 : i32
      %mul3A_154 = arith.muli %add3A_146, %mul3A_153 : i32
      %add3A_155 = arith.addi %mul3A_154, %add3A : i32
      %mul3A_156 = arith.constant 6400 : i32
      %mul3A_157 = arith.muli %add3A_155, %mul3A_156 : i32
      %dma_wait3A = arith.constant 0 : i32
      %dma_wait3A_158 = tpu.memref_slice %arg2[%mul3A_157] : memref<25600000xf32, #tpu.memory_space<hbm>> -> memref<6400xf32, #tpu.memory_space<hbm>>
      %dma_wait3A_159 = tpu.memref_slice %arg18[%dma_wait3A] : memref<5x!tpu.dma_semaphore, #tpu.memory_space<semaphore_mem>> -> memref<1x!tpu.dma_semaphore, #tpu.memory_space<semaphore_mem>>
      %dma_wait3A_160 = tpu.memref_squeeze %dma_wait3A_159 : memref<1x!tpu.dma_semaphore, #tpu.memory_space<semaphore_mem>> -> memref<!tpu.dma_semaphore, #tpu.memory_space<semaphore_mem>>
      %dma_wait3A_161 = tpu.memref_slice %arg2[%mul3A_157] : memref<25600000xf32, #tpu.memory_space<hbm>> -> memref<6400xf32, #tpu.memory_space<hbm>>
      tpu.wait_dma2 semaphore(%dma_wait3A_160 : memref<!tpu.dma_semaphore, #tpu.memory_space<semaphore_mem>>) src(%dma_wait3A_161 : memref<6400xf32, #tpu.memory_space<hbm>>) dst(%arg6 : memref<6400xf32, #tpu.memory_space<vmem>>)
      %dma_wait3A_162 = arith.constant 0 : i32
      %dma_wait3A_163 = tpu.memref_slice %arg3[%mul3A_157] : memref<25600000xf32, #tpu.memory_space<hbm>> -> memref<6400xf32, #tpu.memory_space<hbm>>
      %dma_wait3A_164 = tpu.memref_slice %arg19[%dma_wait3A_162] : memref<5x!tpu.dma_semaphore, #tpu.memory_space<semaphore_mem>> -> memref<1x!tpu.dma_semaphore, #tpu.memory_space<semaphore_mem>>
      %dma_wait3A_165 = tpu.memref_squeeze %dma_wait3A_164 : memref<1x!tpu.dma_semaphore, #tpu.memory_space<semaphore_mem>> -> memref<!tpu.dma_semaphore, #tpu.memory_space<semaphore_mem>>
      %dma_wait3A_166 = tpu.memref_slice %arg3[%mul3A_157] : memref<25600000xf32, #tpu.memory_space<hbm>> -> memref<6400xf32, #tpu.memory_space<hbm>>
      tpu.wait_dma2 semaphore(%dma_wait3A_165 : memref<!tpu.dma_semaphore, #tpu.memory_space<semaphore_mem>>) src(%dma_wait3A_166 : memref<6400xf32, #tpu.memory_space<hbm>>) dst(%arg11 : memref<6400xf32, #tpu.memory_space<vmem>>)
      %mul3A_167 = arith.constant 32 : i32
      %mul3A_168 = arith.muli %add3A_146, %mul3A_167 : i32
      %add3A_169 = arith.addi %mul3A_168, %add3A : i32
      %mul3A_170 = arith.constant 6400 : i32
      %mul3A_171 = arith.muli %add3A_169, %mul3A_170 : i32
      %scan3A_172 = arith.constant 0 : i32
      %scan3A_173 = arith.constant 50 : i32
      %scan3A_174 = arith.addi %scan3A_172, %scan3A_173 : i32
      %scan3A_175 = arith.constant 1 : i32
      %scan3A_176:16 = scf.for %scan3A_334 = %scan3A_172 to %scan3A_174 step %scan3A_175 iter_args(%scan3A_335 = %scan3A_127, %scan3A_336 = %scan3A_128, %scan3A_337 = %scan3A_129, %scan3A_338 = %scan3A_130, %scan3A_339 = %scan3A_131, %scan3A_340 = %scan3A_132, %scan3A_341 = %scan3A_133, %scan3A_342 = %scan3A_134, %scan3A_343 = %scan3A_135, %scan3A_344 = %scan3A_136, %scan3A_345 = %scan3A_137, %scan3A_346 = %scan3A_138, %scan3A_347 = %scan3A_139, %scan3A_348 = %scan3A_140, %scan3A_349 = %scan3A_141, %scan3A_350 = %scan3A_142) -> (vector<16xf32>, vector<16xf32>, vector<16xf32>, vector<16xf32>, vector<16xf32>, vector<16xf32>, vector<16xf32>, vector<16xf32>, vector<16xi32>, vector<16xi32>, vector<16xi32>, vector<16xi32>, vector<16xi32>, vector<16xi32>, vector<16xi32>, vector<16xi32>)  : i32 {
        %mul3A_351 = arith.constant 128 : i32
        %mul3A_352 = arith.muli %scan3A_334, %mul3A_351 : i32
        %add3A_353 = arith.addi %mul3A_171, %mul3A_352 : i32
        %add3A_354 = vector.broadcast %add3A_353 : i32 to vector<16xi32>
        %add3A_355 = arith.addi %add3A_354, %iota3A : vector<16xi32>
        %add3A_356 = arith.constant 0 : i32
        %add3A_357 = arith.addi %mul3A_352, %add3A_356 : i32
        %get3A = arith.index_cast %add3A_357 : i32 to index
        %get3A_358 = tpu.vector_load %arg6[%get3A] {strides = array<i32>} : memref<6400xf32, #tpu.memory_space<vmem>>, vector<16xf32>,
        %get3A_359 = arith.index_cast %add3A_357 : i32 to index
        %get3A_360 = tpu.vector_load %arg11[%get3A_359] {strides = array<i32>} : memref<6400xf32, #tpu.memory_space<vmem>>, vector<16xf32>,
        %mul3A_361 = arith.mulf %get3A_358, %get3A_360 : vector<16xf32>
        %add3A_362 = arith.constant 0 : i32
        %add3A_363 = vector.broadcast %add3A_362 : i32 to vector<16xi32>
        %add3A_364 = arith.addi %add3A_355, %add3A_363 : vector<16xi32>
        %gt3A_365 = arith.cmpf ogt, %mul3A_361, %scan3A_335 : vector<16xf32>
        %select_n3A_366 = arith.select %gt3A_365, %mul3A_361, %scan3A_335 : vector<16xi1>, vector<16xf32>
        %select_n3A_367 = arith.select %gt3A_365, %add3A_364, %scan3A_343 : vector<16xi1>, vector<16xi32>
        %add3A_368 = arith.constant 16 : i32
        %add3A_369 = arith.addi %mul3A_352, %add3A_368 : i32
        %get3A_370 = arith.index_cast %add3A_369 : i32 to index
        %get3A_371 = tpu.vector_load %arg6[%get3A_370] {strides = array<i32>} : memref<6400xf32, #tpu.memory_space<vmem>>, vector<16xf32>,
        %get3A_372 = arith.index_cast %add3A_369 : i32 to index
        %get3A_373 = tpu.vector_load %arg11[%get3A_372] {strides = array<i32>} : memref<6400xf32, #tpu.memory_space<vmem>>, vector<16xf32>,
        %mul3A_374 = arith.mulf %get3A_371, %get3A_373 : vector<16xf32>
        %add3A_375 = arith.constant 16 : i32
        %add3A_376 = vector.broadcast %add3A_375 : i32 to vector<16xi32>
        %add3A_377 = arith.addi %add3A_355, %add3A_376 : vector<16xi32>
        %gt3A_378 = arith.cmpf ogt, %mul3A_374, %scan3A_336 : vector<16xf32>
        %select_n3A_379 = arith.select %gt3A_378, %mul3A_374, %scan3A_336 : vector<16xi1>, vector<16xf32>
        %select_n3A_380 = arith.select %gt3A_378, %add3A_377, %scan3A_344 : vector<16xi1>, vector<16xi32>
        %add3A_381 = arith.constant 32 : i32
        %add3A_382 = arith.addi %mul3A_352, %add3A_381 : i32
        %get3A_383 = arith.index_cast %add3A_382 : i32 to index
        %get3A_384 = tpu.vector_load %arg6[%get3A_383] {strides = array<i32>} : memref<6400xf32, #tpu.memory_space<vmem>>, vector<16xf32>,
        %get3A_385 = arith.index_cast %add3A_382 : i32 to index
        %get3A_386 = tpu.vector_load %arg11[%get3A_385] {strides = array<i32>} : memref<6400xf32, #tpu.memory_space<vmem>>, vector<16xf32>,
        %mul3A_387 = arith.mulf %get3A_384, %get3A_386 : vector<16xf32>
        %add3A_388 = arith.constant 32 : i32
        %add3A_389 = vector.broadcast %add3A_388 : i32 to vector<16xi32>
        %add3A_390 = arith.addi %add3A_355, %add3A_389 : vector<16xi32>
        %gt3A_391 = arith.cmpf ogt, %mul3A_387, %scan3A_337 : vector<16xf32>
        %select_n3A_392 = arith.select %gt3A_391, %mul3A_387, %scan3A_337 : vector<16xi1>, vector<16xf32>
        %select_n3A_393 = arith.select %gt3A_391, %add3A_390, %scan3A_345 : vector<16xi1>, vector<16xi32>
        %add3A_394 = arith.constant 48 : i32
        %add3A_395 = arith.addi %mul3A_352, %add3A_394 : i32
        %get3A_396 = arith.index_cast %add3A_395 : i32 to index
        %get3A_397 = tpu.vector_load %arg6[%get3A_396] {strides = array<i32>} : memref<6400xf32, #tpu.memory_space<vmem>>, vector<16xf32>,
        %get3A_398 = arith.index_cast %add3A_395 : i32 to index
        %get3A_399 = tpu.vector_load %arg11[%get3A_398] {strides = array<i32>} : memref<6400xf32, #tpu.memory_space<vmem>>, vector<16xf32>,
        %mul3A_400 = arith.mulf %get3A_397, %get3A_399 : vector<16xf32>
        %add3A_401 = arith.constant 48 : i32
        %add3A_402 = vector.broadcast %add3A_401 : i32 to vector<16xi32>
        %add3A_403 = arith.addi %add3A_355, %add3A_402 : vector<16xi32>
        %gt3A_404 = arith.cmpf ogt, %mul3A_400, %scan3A_338 : vector<16xf32>
        %select_n3A_405 = arith.select %gt3A_404, %mul3A_400, %scan3A_338 : vector<16xi1>, vector<16xf32>
        %select_n3A_406 = arith.select %gt3A_404, %add3A_403, %scan3A_346 : vector<16xi1>, vector<16xi32>
        %add3A_407 = arith.constant 64 : i32
        %add3A_408 = arith.addi %mul3A_352, %add3A_407 : i32
        %get3A_409 = arith.index_cast %add3A_408 : i32 to index
        %get3A_410 = tpu.vector_load %arg6[%get3A_409] {strides = array<i32>} : memref<6400xf32, #tpu.memory_space<vmem>>, vector<16xf32>,
        %get3A_411 = arith.index_cast %add3A_408 : i32 to index
        %get3A_412 = tpu.vector_load %arg11[%get3A_411] {strides = array<i32>} : memref<6400xf32, #tpu.memory_space<vmem>>, vector<16xf32>,
        %mul3A_413 = arith.mulf %get3A_410, %get3A_412 : vector<16xf32>
        %add3A_414 = arith.constant 64 : i32
        %add3A_415 = vector.broadcast %add3A_414 : i32 to vector<16xi32>
        %add3A_416 = arith.addi %add3A_355, %add3A_415 : vector<16xi32>
        %gt3A_417 = arith.cmpf ogt, %mul3A_413, %scan3A_339 : vector<16xf32>
        %select_n3A_418 = arith.select %gt3A_417, %mul3A_413, %scan3A_339 : vector<16xi1>, vector<16xf32>
        %select_n3A_419 = arith.select %gt3A_417, %add3A_416, %scan3A_347 : vector<16xi1>, vector<16xi32>
        %add3A_420 = arith.constant 80 : i32
        %add3A_421 = arith.addi %mul3A_352, %add3A_420 : i32
        %get3A_422 = arith.index_cast %add3A_421 : i32 to index
        %get3A_423 = tpu.vector_load %arg6[%get3A_422] {strides = array<i32>} : memref<6400xf32, #tpu.memory_space<vmem>>, vector<16xf32>,
        %get3A_424 = arith.index_cast %add3A_421 : i32 to index
        %get3A_425 = tpu.vector_load %arg11[%get3A_424] {strides = array<i32>} : memref<6400xf32, #tpu.memory_space<vmem>>, vector<16xf32>,
        %mul3A_426 = arith.mulf %get3A_423, %get3A_425 : vector<16xf32>
        %add3A_427 = arith.constant 80 : i32
        %add3A_428 = vector.broadcast %add3A_427 : i32 to vector<16xi32>
        %add3A_429 = arith.addi %add3A_355, %add3A_428 : vector<16xi32>
        %gt3A_430 = arith.cmpf ogt, %mul3A_426, %scan3A_340 : vector<16xf32>
        %select_n3A_431 = arith.select %gt3A_430, %mul3A_426, %scan3A_340 : vector<16xi1>, vector<16xf32>
        %select_n3A_432 = arith.select %gt3A_430, %add3A_429, %scan3A_348 : vector<16xi1>, vector<16xi32>
        %add3A_433 = arith.constant 96 : i32
        %add3A_434 = arith.addi %mul3A_352, %add3A_433 : i32
        %get3A_435 = arith.index_cast %add3A_434 : i32 to index
        %get3A_436 = tpu.vector_load %arg6[%get3A_435] {strides = array<i32>} : memref<6400xf32, #tpu.memory_space<vmem>>, vector<16xf32>,
        %get3A_437 = arith.index_cast %add3A_434 : i32 to index
        %get3A_438 = tpu.vector_load %arg11[%get3A_437] {strides = array<i32>} : memref<6400xf32, #tpu.memory_space<vmem>>, vector<16xf32>,
        %mul3A_439 = arith.mulf %get3A_436, %get3A_438 : vector<16xf32>
        %add3A_440 = arith.constant 96 : i32
        %add3A_441 = vector.broadcast %add3A_440 : i32 to vector<16xi32>
        %add3A_442 = arith.addi %add3A_355, %add3A_441 : vector<16xi32>
        %gt3A_443 = arith.cmpf ogt, %mul3A_439, %scan3A_341 : vector<16xf32>
        %select_n3A_444 = arith.select %gt3A_443, %mul3A_439, %scan3A_341 : vector<16xi1>, vector<16xf32>
        %select_n3A_445 = arith.select %gt3A_443, %add3A_442, %scan3A_349 : vector<16xi1>, vector<16xi32>
        %add3A_446 = arith.constant 112 : i32
        %add3A_447 = arith.addi %mul3A_352, %add3A_446 : i32
        %get3A_448 = arith.index_cast %add3A_447 : i32 to index
        %get3A_449 = tpu.vector_load %arg6[%get3A_448] {strides = array<i32>} : memref<6400xf32, #tpu.memory_space<vmem>>, vector<16xf32>,
        %get3A_450 = arith.index_cast %add3A_447 : i32 to index
        %get3A_451 = tpu.vector_load %arg11[%get3A_450] {strides = array<i32>} : memref<6400xf32, #tpu.memory_space<vmem>>, vector<16xf32>,
        %mul3A_452 = arith.mulf %get3A_449, %get3A_451 : vector<16xf32>
        %add3A_453 = arith.constant 112 : i32
        %add3A_454 = vector.broadcast %add3A_453 : i32 to vector<16xi32>
        %add3A_455 = arith.addi %add3A_355, %add3A_454 : vector<16xi32>
        %gt3A_456 = arith.cmpf ogt, %mul3A_452, %scan3A_342 : vector<16xf32>
        %select_n3A_457 = arith.select %gt3A_456, %mul3A_452, %scan3A_342 : vector<16xi1>, vector<16xf32>
        %select_n3A_458 = arith.select %gt3A_456, %add3A_455, %scan3A_350 : vector<16xi1>, vector<16xi32>
        scf.yield %select_n3A_366, %select_n3A_379, %select_n3A_392, %select_n3A_405, %select_n3A_418, %select_n3A_431, %select_n3A_444, %select_n3A_457, %select_n3A_367, %select_n3A_380, %select_n3A_393, %select_n3A_406, %select_n3A_419, %select_n3A_432, %select_n3A_445, %select_n3A_458 : vector<16xf32>, vector<16xf32>, vector<16xf32>, vector<16xf32>, vector<16xf32>, vector<16xf32>, vector<16xf32>, vector<16xf32>, vector<16xi32>, vector<16xi32>, vector<16xi32>, vector<16xi32>, vector<16xi32>, vector<16xi32>, vector<16xi32>, vector<16xi32>
      }
      %scan3A_177 = arith.constant 50 : i32
      %mul3A_178 = arith.constant 5 : i32
      %mul3A_179 = arith.muli %scan3A_126, %mul3A_178 : i32
      %add3A_180 = arith.constant 1 : i32
      %add3A_181 = arith.addi %mul3A_179, %add3A_180 : i32
      %add3A_182 = arith.constant 5 : i32
      %add3A_183 = arith.addi %add3A_181, %add3A_182 : i32
      %sub3A_184 = arith.constant 1 : i32
      %sub3A_185 = arith.subi %add3A_183, %sub3A_184 : i32
      %lt3A_186 = arith.constant 125 : i32
      %lt3A_187 = arith.cmpi slt, %sub3A_185, %lt3A_186 : i32
      %convert_element_type3A_188 = arith.extui %lt3A_187 : i1 to i32
      %cond3A_189 = arith.constant 0 : i32
      %cond3A_190 = arith.cmpi ne, %convert_element_type3A_188, %cond3A_189 : i32
      scf.if %cond3A_190 {
        %add3A_334 = arith.constant 5 : i32
        %add3A_335 = arith.addi %add3A_181, %add3A_334 : i32
        %sub3A_336 = arith.constant 1 : i32
        %sub3A_337 = arith.subi %add3A_335, %sub3A_336 : i32
        %mul3A_338 = arith.constant 32 : i32
        %mul3A_339 = arith.muli %sub3A_337, %mul3A_338 : i32
        %add3A_340 = arith.addi %mul3A_339, %add3A : i32
        %mul3A_341 = arith.constant 6400 : i32
        %mul3A_342 = arith.muli %add3A_340, %mul3A_341 : i32
        %dma_start3A_343 = arith.constant 0 : i32
        %dma_start3A_344 = tpu.memref_slice %arg2[%mul3A_342] : memref<25600000xf32, #tpu.memory_space<hbm>> -> memref<6400xf32, #tpu.memory_space<hbm>>
        %dma_start3A_345 = tpu.memref_slice %arg18[%dma_start3A_343] : memref<5x!tpu.dma_semaphore, #tpu.memory_space<semaphore_mem>> -> memref<1x!tpu.dma_semaphore, #tpu.memory_space<semaphore_mem>>
        %dma_start3A_346 = tpu.memref_squeeze %dma_start3A_345 : memref<1x!tpu.dma_semaphore, #tpu.memory_space<semaphore_mem>> -> memref<!tpu.dma_semaphore, #tpu.memory_space<semaphore_mem>>
        %dma_start3A_347 = tpu.memref_slice %arg2[%mul3A_342] : memref<25600000xf32, #tpu.memory_space<hbm>> -> memref<6400xf32, #tpu.memory_space<hbm>>
        tpu.enqueue_dma source(%dma_start3A_347 : memref<6400xf32, #tpu.memory_space<hbm>>) target(%arg6 : memref<6400xf32, #tpu.memory_space<vmem>>) target_semaphore(%dma_start3A_346 : memref<!tpu.dma_semaphore, #tpu.memory_space<semaphore_mem>>)
        %dma_start3A_348 = arith.constant 0 : i32
        %dma_start3A_349 = tpu.memref_slice %arg3[%mul3A_342] : memref<25600000xf32, #tpu.memory_space<hbm>> -> memref<6400xf32, #tpu.memory_space<hbm>>
        %dma_start3A_350 = tpu.memref_slice %arg19[%dma_start3A_348] : memref<5x!tpu.dma_semaphore, #tpu.memory_space<semaphore_mem>> -> memref<1x!tpu.dma_semaphore, #tpu.memory_space<semaphore_mem>>
        %dma_start3A_351 = tpu.memref_squeeze %dma_start3A_350 : memref<1x!tpu.dma_semaphore, #tpu.memory_space<semaphore_mem>> -> memref<!tpu.dma_semaphore, #tpu.memory_space<semaphore_mem>>
        %dma_start3A_352 = tpu.memref_slice %arg3[%mul3A_342] : memref<25600000xf32, #tpu.memory_space<hbm>> -> memref<6400xf32, #tpu.memory_space<hbm>>
        tpu.enqueue_dma source(%dma_start3A_352 : memref<6400xf32, #tpu.memory_space<hbm>>) target(%arg11 : memref<6400xf32, #tpu.memory_space<vmem>>) target_semaphore(%dma_start3A_351 : memref<!tpu.dma_semaphore, #tpu.memory_space<semaphore_mem>>)
      } else {
      }
      %mul3A_191 = arith.constant 32 : i32
      %mul3A_192 = arith.muli %add3A_181, %mul3A_191 : i32
      %add3A_193 = arith.addi %mul3A_192, %add3A : i32
      %mul3A_194 = arith.constant 6400 : i32
      %mul3A_195 = arith.muli %add3A_193, %mul3A_194 : i32
      %dma_wait3A_196 = arith.constant 1 : i32
      %dma_wait3A_197 = tpu.memref_slice %arg2[%mul3A_195] : memref<25600000xf32, #tpu.memory_space<hbm>> -> memref<6400xf32, #tpu.memory_space<hbm>>
      %dma_wait3A_198 = tpu.memref_slice %arg18[%dma_wait3A_196] : memref<5x!tpu.dma_semaphore, #tpu.memory_space<semaphore_mem>> -> memref<1x!tpu.dma_semaphore, #tpu.memory_space<semaphore_mem>>
      %dma_wait3A_199 = tpu.memref_squeeze %dma_wait3A_198 : memref<1x!tpu.dma_semaphore, #tpu.memory_space<semaphore_mem>> -> memref<!tpu.dma_semaphore, #tpu.memory_space<semaphore_mem>>
      %dma_wait3A_200 = tpu.memref_slice %arg2[%mul3A_195] : memref<25600000xf32, #tpu.memory_space<hbm>> -> memref<6400xf32, #tpu.memory_space<hbm>>
      tpu.wait_dma2 semaphore(%dma_wait3A_199 : memref<!tpu.dma_semaphore, #tpu.memory_space<semaphore_mem>>) src(%dma_wait3A_200 : memref<6400xf32, #tpu.memory_space<hbm>>) dst(%arg7 : memref<6400xf32, #tpu.memory_space<vmem>>)
      %dma_wait3A_201 = arith.constant 1 : i32
      %dma_wait3A_202 = tpu.memref_slice %arg3[%mul3A_195] : memref<25600000xf32, #tpu.memory_space<hbm>> -> memref<6400xf32, #tpu.memory_space<hbm>>
      %dma_wait3A_203 = tpu.memref_slice %arg19[%dma_wait3A_201] : memref<5x!tpu.dma_semaphore, #tpu.memory_space<semaphore_mem>> -> memref<1x!tpu.dma_semaphore, #tpu.memory_space<semaphore_mem>>
      %dma_wait3A_204 = tpu.memref_squeeze %dma_wait3A_203 : memref<1x!tpu.dma_semaphore, #tpu.memory_space<semaphore_mem>> -> memref<!tpu.dma_semaphore, #tpu.memory_space<semaphore_mem>>
      %dma_wait3A_205 = tpu.memref_slice %arg3[%mul3A_195] : memref<25600000xf32, #tpu.memory_space<hbm>> -> memref<6400xf32, #tpu.memory_space<hbm>>
      tpu.wait_dma2 semaphore(%dma_wait3A_204 : memref<!tpu.dma_semaphore, #tpu.memory_space<semaphore_mem>>) src(%dma_wait3A_205 : memref<6400xf32, #tpu.memory_space<hbm>>) dst(%arg12 : memref<6400xf32, #tpu.memory_space<vmem>>)
      %mul3A_206 = arith.constant 32 : i32
      %mul3A_207 = arith.muli %add3A_181, %mul3A_206 : i32
      %add3A_208 = arith.addi %mul3A_207, %add3A : i32
      %mul3A_209 = arith.constant 6400 : i32
      %mul3A_210 = arith.muli %add3A_208, %mul3A_209 : i32
      %scan3A_211 = arith.constant 0 : i32
      %scan3A_212 = arith.constant 50 : i32
      %scan3A_213 = arith.addi %scan3A_211, %scan3A_212 : i32
      %scan3A_214 = arith.constant 1 : i32
      %scan3A_215:16 = scf.for %scan3A_334 = %scan3A_211 to %scan3A_213 step %scan3A_214 iter_args(%scan3A_335 = %scan3A_176#0, %scan3A_336 = %scan3A_176#1, %scan3A_337 = %scan3A_176#2, %scan3A_338 = %scan3A_176#3, %scan3A_339 = %scan3A_176#4, %scan3A_340 = %scan3A_176#5, %scan3A_341 = %scan3A_176#6, %scan3A_342 = %scan3A_176#7, %scan3A_343 = %scan3A_176#8, %scan3A_344 = %scan3A_176#9, %scan3A_345 = %scan3A_176#10, %scan3A_346 = %scan3A_176#11, %scan3A_347 = %scan3A_176#12, %scan3A_348 = %scan3A_176#13, %scan3A_349 = %scan3A_176#14, %scan3A_350 = %scan3A_176#15) -> (vector<16xf32>, vector<16xf32>, vector<16xf32>, vector<16xf32>, vector<16xf32>, vector<16xf32>, vector<16xf32>, vector<16xf32>, vector<16xi32>, vector<16xi32>, vector<16xi32>, vector<16xi32>, vector<16xi32>, vector<16xi32>, vector<16xi32>, vector<16xi32>)  : i32 {
        %mul3A_351 = arith.constant 128 : i32
        %mul3A_352 = arith.muli %scan3A_334, %mul3A_351 : i32
        %add3A_353 = arith.addi %mul3A_210, %mul3A_352 : i32
        %add3A_354 = vector.broadcast %add3A_353 : i32 to vector<16xi32>
        %add3A_355 = arith.addi %add3A_354, %iota3A : vector<16xi32>
        %add3A_356 = arith.constant 0 : i32
        %add3A_357 = arith.addi %mul3A_352, %add3A_356 : i32
        %get3A = arith.index_cast %add3A_357 : i32 to index
        %get3A_358 = tpu.vector_load %arg7[%get3A] {strides = array<i32>} : memref<6400xf32, #tpu.memory_space<vmem>>, vector<16xf32>,
        %get3A_359 = arith.index_cast %add3A_357 : i32 to index
        %get3A_360 = tpu.vector_load %arg12[%get3A_359] {strides = array<i32>} : memref<6400xf32, #tpu.memory_space<vmem>>, vector<16xf32>,
        %mul3A_361 = arith.mulf %get3A_358, %get3A_360 : vector<16xf32>
        %add3A_362 = arith.constant 0 : i32
        %add3A_363 = vector.broadcast %add3A_362 : i32 to vector<16xi32>
        %add3A_364 = arith.addi %add3A_355, %add3A_363 : vector<16xi32>
        %gt3A_365 = arith.cmpf ogt, %mul3A_361, %scan3A_335 : vector<16xf32>
        %select_n3A_366 = arith.select %gt3A_365, %mul3A_361, %scan3A_335 : vector<16xi1>, vector<16xf32>
        %select_n3A_367 = arith.select %gt3A_365, %add3A_364, %scan3A_343 : vector<16xi1>, vector<16xi32>
        %add3A_368 = arith.constant 16 : i32
        %add3A_369 = arith.addi %mul3A_352, %add3A_368 : i32
        %get3A_370 = arith.index_cast %add3A_369 : i32 to index
        %get3A_371 = tpu.vector_load %arg7[%get3A_370] {strides = array<i32>} : memref<6400xf32, #tpu.memory_space<vmem>>, vector<16xf32>,
        %get3A_372 = arith.index_cast %add3A_369 : i32 to index
        %get3A_373 = tpu.vector_load %arg12[%get3A_372] {strides = array<i32>} : memref<6400xf32, #tpu.memory_space<vmem>>, vector<16xf32>,
        %mul3A_374 = arith.mulf %get3A_371, %get3A_373 : vector<16xf32>
        %add3A_375 = arith.constant 16 : i32
        %add3A_376 = vector.broadcast %add3A_375 : i32 to vector<16xi32>
        %add3A_377 = arith.addi %add3A_355, %add3A_376 : vector<16xi32>
        %gt3A_378 = arith.cmpf ogt, %mul3A_374, %scan3A_336 : vector<16xf32>
        %select_n3A_379 = arith.select %gt3A_378, %mul3A_374, %scan3A_336 : vector<16xi1>, vector<16xf32>
        %select_n3A_380 = arith.select %gt3A_378, %add3A_377, %scan3A_344 : vector<16xi1>, vector<16xi32>
        %add3A_381 = arith.constant 32 : i32
        %add3A_382 = arith.addi %mul3A_352, %add3A_381 : i32
        %get3A_383 = arith.index_cast %add3A_382 : i32 to index
        %get3A_384 = tpu.vector_load %arg7[%get3A_383] {strides = array<i32>} : memref<6400xf32, #tpu.memory_space<vmem>>, vector<16xf32>,
        %get3A_385 = arith.index_cast %add3A_382 : i32 to index
        %get3A_386 = tpu.vector_load %arg12[%get3A_385] {strides = array<i32>} : memref<6400xf32, #tpu.memory_space<vmem>>, vector<16xf32>,
        %mul3A_387 = arith.mulf %get3A_384, %get3A_386 : vector<16xf32>
        %add3A_388 = arith.constant 32 : i32
        %add3A_389 = vector.broadcast %add3A_388 : i32 to vector<16xi32>
        %add3A_390 = arith.addi %add3A_355, %add3A_389 : vector<16xi32>
        %gt3A_391 = arith.cmpf ogt, %mul3A_387, %scan3A_337 : vector<16xf32>
        %select_n3A_392 = arith.select %gt3A_391, %mul3A_387, %scan3A_337 : vector<16xi1>, vector<16xf32>
        %select_n3A_393 = arith.select %gt3A_391, %add3A_390, %scan3A_345 : vector<16xi1>, vector<16xi32>
        %add3A_394 = arith.constant 48 : i32
        %add3A_395 = arith.addi %mul3A_352, %add3A_394 : i32
        %get3A_396 = arith.index_cast %add3A_395 : i32 to index
        %get3A_397 = tpu.vector_load %arg7[%get3A_396] {strides = array<i32>} : memref<6400xf32, #tpu.memory_space<vmem>>, vector<16xf32>,
        %get3A_398 = arith.index_cast %add3A_395 : i32 to index
        %get3A_399 = tpu.vector_load %arg12[%get3A_398] {strides = array<i32>} : memref<6400xf32, #tpu.memory_space<vmem>>, vector<16xf32>,
        %mul3A_400 = arith.mulf %get3A_397, %get3A_399 : vector<16xf32>
        %add3A_401 = arith.constant 48 : i32
        %add3A_402 = vector.broadcast %add3A_401 : i32 to vector<16xi32>
        %add3A_403 = arith.addi %add3A_355, %add3A_402 : vector<16xi32>
        %gt3A_404 = arith.cmpf ogt, %mul3A_400, %scan3A_338 : vector<16xf32>
        %select_n3A_405 = arith.select %gt3A_404, %mul3A_400, %scan3A_338 : vector<16xi1>, vector<16xf32>
        %select_n3A_406 = arith.select %gt3A_404, %add3A_403, %scan3A_346 : vector<16xi1>, vector<16xi32>
        %add3A_407 = arith.constant 64 : i32
        %add3A_408 = arith.addi %mul3A_352, %add3A_407 : i32
        %get3A_409 = arith.index_cast %add3A_408 : i32 to index
        %get3A_410 = tpu.vector_load %arg7[%get3A_409] {strides = array<i32>} : memref<6400xf32, #tpu.memory_space<vmem>>, vector<16xf32>,
        %get3A_411 = arith.index_cast %add3A_408 : i32 to index
        %get3A_412 = tpu.vector_load %arg12[%get3A_411] {strides = array<i32>} : memref<6400xf32, #tpu.memory_space<vmem>>, vector<16xf32>,
        %mul3A_413 = arith.mulf %get3A_410, %get3A_412 : vector<16xf32>
        %add3A_414 = arith.constant 64 : i32
        %add3A_415 = vector.broadcast %add3A_414 : i32 to vector<16xi32>
        %add3A_416 = arith.addi %add3A_355, %add3A_415 : vector<16xi32>
        %gt3A_417 = arith.cmpf ogt, %mul3A_413, %scan3A_339 : vector<16xf32>
        %select_n3A_418 = arith.select %gt3A_417, %mul3A_413, %scan3A_339 : vector<16xi1>, vector<16xf32>
        %select_n3A_419 = arith.select %gt3A_417, %add3A_416, %scan3A_347 : vector<16xi1>, vector<16xi32>
        %add3A_420 = arith.constant 80 : i32
        %add3A_421 = arith.addi %mul3A_352, %add3A_420 : i32
        %get3A_422 = arith.index_cast %add3A_421 : i32 to index
        %get3A_423 = tpu.vector_load %arg7[%get3A_422] {strides = array<i32>} : memref<6400xf32, #tpu.memory_space<vmem>>, vector<16xf32>,
        %get3A_424 = arith.index_cast %add3A_421 : i32 to index
        %get3A_425 = tpu.vector_load %arg12[%get3A_424] {strides = array<i32>} : memref<6400xf32, #tpu.memory_space<vmem>>, vector<16xf32>,
        %mul3A_426 = arith.mulf %get3A_423, %get3A_425 : vector<16xf32>
        %add3A_427 = arith.constant 80 : i32
        %add3A_428 = vector.broadcast %add3A_427 : i32 to vector<16xi32>
        %add3A_429 = arith.addi %add3A_355, %add3A_428 : vector<16xi32>
        %gt3A_430 = arith.cmpf ogt, %mul3A_426, %scan3A_340 : vector<16xf32>
        %select_n3A_431 = arith.select %gt3A_430, %mul3A_426, %scan3A_340 : vector<16xi1>, vector<16xf32>
        %select_n3A_432 = arith.select %gt3A_430, %add3A_429, %scan3A_348 : vector<16xi1>, vector<16xi32>
        %add3A_433 = arith.constant 96 : i32
        %add3A_434 = arith.addi %mul3A_352, %add3A_433 : i32
        %get3A_435 = arith.index_cast %add3A_434 : i32 to index
        %get3A_436 = tpu.vector_load %arg7[%get3A_435] {strides = array<i32>} : memref<6400xf32, #tpu.memory_space<vmem>>, vector<16xf32>,
        %get3A_437 = arith.index_cast %add3A_434 : i32 to index
        %get3A_438 = tpu.vector_load %arg12[%get3A_437] {strides = array<i32>} : memref<6400xf32, #tpu.memory_space<vmem>>, vector<16xf32>,
        %mul3A_439 = arith.mulf %get3A_436, %get3A_438 : vector<16xf32>
        %add3A_440 = arith.constant 96 : i32
        %add3A_441 = vector.broadcast %add3A_440 : i32 to vector<16xi32>
        %add3A_442 = arith.addi %add3A_355, %add3A_441 : vector<16xi32>
        %gt3A_443 = arith.cmpf ogt, %mul3A_439, %scan3A_341 : vector<16xf32>
        %select_n3A_444 = arith.select %gt3A_443, %mul3A_439, %scan3A_341 : vector<16xi1>, vector<16xf32>
        %select_n3A_445 = arith.select %gt3A_443, %add3A_442, %scan3A_349 : vector<16xi1>, vector<16xi32>
        %add3A_446 = arith.constant 112 : i32
        %add3A_447 = arith.addi %mul3A_352, %add3A_446 : i32
        %get3A_448 = arith.index_cast %add3A_447 : i32 to index
        %get3A_449 = tpu.vector_load %arg7[%get3A_448] {strides = array<i32>} : memref<6400xf32, #tpu.memory_space<vmem>>, vector<16xf32>,
        %get3A_450 = arith.index_cast %add3A_447 : i32 to index
        %get3A_451 = tpu.vector_load %arg12[%get3A_450] {strides = array<i32>} : memref<6400xf32, #tpu.memory_space<vmem>>, vector<16xf32>,
        %mul3A_452 = arith.mulf %get3A_449, %get3A_451 : vector<16xf32>
        %add3A_453 = arith.constant 112 : i32
        %add3A_454 = vector.broadcast %add3A_453 : i32 to vector<16xi32>
        %add3A_455 = arith.addi %add3A_355, %add3A_454 : vector<16xi32>
        %gt3A_456 = arith.cmpf ogt, %mul3A_452, %scan3A_342 : vector<16xf32>
        %select_n3A_457 = arith.select %gt3A_456, %mul3A_452, %scan3A_342 : vector<16xi1>, vector<16xf32>
        %select_n3A_458 = arith.select %gt3A_456, %add3A_455, %scan3A_350 : vector<16xi1>, vector<16xi32>
        scf.yield %select_n3A_366, %select_n3A_379, %select_n3A_392, %select_n3A_405, %select_n3A_418, %select_n3A_431, %select_n3A_444, %select_n3A_457, %select_n3A_367, %select_n3A_380, %select_n3A_393, %select_n3A_406, %select_n3A_419, %select_n3A_432, %select_n3A_445, %select_n3A_458 : vector<16xf32>, vector<16xf32>, vector<16xf32>, vector<16xf32>, vector<16xf32>, vector<16xf32>, vector<16xf32>, vector<16xf32>, vector<16xi32>, vector<16xi32>, vector<16xi32>, vector<16xi32>, vector<16xi32>, vector<16xi32>, vector<16xi32>, vector<16xi32>
      }
      %scan3A_216 = arith.constant 50 : i32
      %mul3A_217 = arith.constant 5 : i32
      %mul3A_218 = arith.muli %scan3A_126, %mul3A_217 : i32
      %add3A_219 = arith.constant 2 : i32
      %add3A_220 = arith.addi %mul3A_218, %add3A_219 : i32
      %add3A_221 = arith.constant 5 : i32
      %add3A_222 = arith.addi %add3A_220, %add3A_221 : i32
      %sub3A_223 = arith.constant 1 : i32
      %sub3A_224 = arith.subi %add3A_222, %sub3A_223 : i32
      %lt3A_225 = arith.constant 125 : i32
      %lt3A_226 = arith.cmpi slt, %sub3A_224, %lt3A_225 : i32
      %convert_element_type3A_227 = arith.extui %lt3A_226 : i1 to i32
      %cond3A_228 = arith.constant 0 : i32
      %cond3A_229 = arith.cmpi ne, %convert_element_type3A_227, %cond3A_228 : i32
      scf.if %cond3A_229 {
        %add3A_334 = arith.constant 5 : i32
        %add3A_335 = arith.addi %add3A_220, %add3A_334 : i32
        %sub3A_336 = arith.constant 1 : i32
        %sub3A_337 = arith.subi %add3A_335, %sub3A_336 : i32
        %mul3A_338 = arith.constant 32 : i32
        %mul3A_339 = arith.muli %sub3A_337, %mul3A_338 : i32
        %add3A_340 = arith.addi %mul3A_339, %add3A : i32
        %mul3A_341 = arith.constant 6400 : i32
        %mul3A_342 = arith.muli %add3A_340, %mul3A_341 : i32
        %dma_start3A_343 = arith.constant 1 : i32
        %dma_start3A_344 = tpu.memref_slice %arg2[%mul3A_342] : memref<25600000xf32, #tpu.memory_space<hbm>> -> memref<6400xf32, #tpu.memory_space<hbm>>
        %dma_start3A_345 = tpu.memref_slice %arg18[%dma_start3A_343] : memref<5x!tpu.dma_semaphore, #tpu.memory_space<semaphore_mem>> -> memref<1x!tpu.dma_semaphore, #tpu.memory_space<semaphore_mem>>
        %dma_start3A_346 = tpu.memref_squeeze %dma_start3A_345 : memref<1x!tpu.dma_semaphore, #tpu.memory_space<semaphore_mem>> -> memref<!tpu.dma_semaphore, #tpu.memory_space<semaphore_mem>>
        %dma_start3A_347 = tpu.memref_slice %arg2[%mul3A_342] : memref<25600000xf32, #tpu.memory_space<hbm>> -> memref<6400xf32, #tpu.memory_space<hbm>>
        tpu.enqueue_dma source(%dma_start3A_347 : memref<6400xf32, #tpu.memory_space<hbm>>) target(%arg7 : memref<6400xf32, #tpu.memory_space<vmem>>) target_semaphore(%dma_start3A_346 : memref<!tpu.dma_semaphore, #tpu.memory_space<semaphore_mem>>)
        %dma_start3A_348 = arith.constant 1 : i32
        %dma_start3A_349 = tpu.memref_slice %arg3[%mul3A_342] : memref<25600000xf32, #tpu.memory_space<hbm>> -> memref<6400xf32, #tpu.memory_space<hbm>>
        %dma_start3A_350 = tpu.memref_slice %arg19[%dma_start3A_348] : memref<5x!tpu.dma_semaphore, #tpu.memory_space<semaphore_mem>> -> memref<1x!tpu.dma_semaphore, #tpu.memory_space<semaphore_mem>>
        %dma_start3A_351 = tpu.memref_squeeze %dma_start3A_350 : memref<1x!tpu.dma_semaphore, #tpu.memory_space<semaphore_mem>> -> memref<!tpu.dma_semaphore, #tpu.memory_space<semaphore_mem>>
        %dma_start3A_352 = tpu.memref_slice %arg3[%mul3A_342] : memref<25600000xf32, #tpu.memory_space<hbm>> -> memref<6400xf32, #tpu.memory_space<hbm>>
        tpu.enqueue_dma source(%dma_start3A_352 : memref<6400xf32, #tpu.memory_space<hbm>>) target(%arg12 : memref<6400xf32, #tpu.memory_space<vmem>>) target_semaphore(%dma_start3A_351 : memref<!tpu.dma_semaphore, #tpu.memory_space<semaphore_mem>>)
      } else {
      }
      %mul3A_230 = arith.constant 32 : i32
      %mul3A_231 = arith.muli %add3A_220, %mul3A_230 : i32
      %add3A_232 = arith.addi %mul3A_231, %add3A : i32
      %mul3A_233 = arith.constant 6400 : i32
      %mul3A_234 = arith.muli %add3A_232, %mul3A_233 : i32
      %dma_wait3A_235 = arith.constant 2 : i32
      %dma_wait3A_236 = tpu.memref_slice %arg2[%mul3A_234] : memref<25600000xf32, #tpu.memory_space<hbm>> -> memref<6400xf32, #tpu.memory_space<hbm>>
      %dma_wait3A_237 = tpu.memref_slice %arg18[%dma_wait3A_235] : memref<5x!tpu.dma_semaphore, #tpu.memory_space<semaphore_mem>> -> memref<1x!tpu.dma_semaphore, #tpu.memory_space<semaphore_mem>>
      %dma_wait3A_238 = tpu.memref_squeeze %dma_wait3A_237 : memref<1x!tpu.dma_semaphore, #tpu.memory_space<semaphore_mem>> -> memref<!tpu.dma_semaphore, #tpu.memory_space<semaphore_mem>>
      %dma_wait3A_239 = tpu.memref_slice %arg2[%mul3A_234] : memref<25600000xf32, #tpu.memory_space<hbm>> -> memref<6400xf32, #tpu.memory_space<hbm>>
      tpu.wait_dma2 semaphore(%dma_wait3A_238 : memref<!tpu.dma_semaphore, #tpu.memory_space<semaphore_mem>>) src(%dma_wait3A_239 : memref<6400xf32, #tpu.memory_space<hbm>>) dst(%arg8 : memref<6400xf32, #tpu.memory_space<vmem>>)
      %dma_wait3A_240 = arith.constant 2 : i32
      %dma_wait3A_241 = tpu.memref_slice %arg3[%mul3A_234] : memref<25600000xf32, #tpu.memory_space<hbm>> -> memref<6400xf32, #tpu.memory_space<hbm>>
      %dma_wait3A_242 = tpu.memref_slice %arg19[%dma_wait3A_240] : memref<5x!tpu.dma_semaphore, #tpu.memory_space<semaphore_mem>> -> memref<1x!tpu.dma_semaphore, #tpu.memory_space<semaphore_mem>>
      %dma_wait3A_243 = tpu.memref_squeeze %dma_wait3A_242 : memref<1x!tpu.dma_semaphore, #tpu.memory_space<semaphore_mem>> -> memref<!tpu.dma_semaphore, #tpu.memory_space<semaphore_mem>>
      %dma_wait3A_244 = tpu.memref_slice %arg3[%mul3A_234] : memref<25600000xf32, #tpu.memory_space<hbm>> -> memref<6400xf32, #tpu.memory_space<hbm>>
      tpu.wait_dma2 semaphore(%dma_wait3A_243 : memref<!tpu.dma_semaphore, #tpu.memory_space<semaphore_mem>>) src(%dma_wait3A_244 : memref<6400xf32, #tpu.memory_space<hbm>>) dst(%arg13 : memref<6400xf32, #tpu.memory_space<vmem>>)
      %mul3A_245 = arith.constant 32 : i32
      %mul3A_246 = arith.muli %add3A_220, %mul3A_245 : i32
      %add3A_247 = arith.addi %mul3A_246, %add3A : i32
      %mul3A_248 = arith.constant 6400 : i32
      %mul3A_249 = arith.muli %add3A_247, %mul3A_248 : i32
      %scan3A_250 = arith.constant 0 : i32
      %scan3A_251 = arith.constant 50 : i32
      %scan3A_252 = arith.addi %scan3A_250, %scan3A_251 : i32
      %scan3A_253 = arith.constant 1 : i32
      %scan3A_254:16 = scf.for %scan3A_334 = %scan3A_250 to %scan3A_252 step %scan3A_253 iter_args(%scan3A_335 = %scan3A_215#0, %scan3A_336 = %scan3A_215#1, %scan3A_337 = %scan3A_215#2, %scan3A_338 = %scan3A_215#3, %scan3A_339 = %scan3A_215#4, %scan3A_340 = %scan3A_215#5, %scan3A_341 = %scan3A_215#6, %scan3A_342 = %scan3A_215#7, %scan3A_343 = %scan3A_215#8, %scan3A_344 = %scan3A_215#9, %scan3A_345 = %scan3A_215#10, %scan3A_346 = %scan3A_215#11, %scan3A_347 = %scan3A_215#12, %scan3A_348 = %scan3A_215#13, %scan3A_349 = %scan3A_215#14, %scan3A_350 = %scan3A_215#15) -> (vector<16xf32>, vector<16xf32>, vector<16xf32>, vector<16xf32>, vector<16xf32>, vector<16xf32>, vector<16xf32>, vector<16xf32>, vector<16xi32>, vector<16xi32>, vector<16xi32>, vector<16xi32>, vector<16xi32>, vector<16xi32>, vector<16xi32>, vector<16xi32>)  : i32 {
        %mul3A_351 = arith.constant 128 : i32
        %mul3A_352 = arith.muli %scan3A_334, %mul3A_351 : i32
        %add3A_353 = arith.addi %mul3A_249, %mul3A_352 : i32
        %add3A_354 = vector.broadcast %add3A_353 : i32 to vector<16xi32>
        %add3A_355 = arith.addi %add3A_354, %iota3A : vector<16xi32>
        %add3A_356 = arith.constant 0 : i32
        %add3A_357 = arith.addi %mul3A_352, %add3A_356 : i32
        %get3A = arith.index_cast %add3A_357 : i32 to index
        %get3A_358 = tpu.vector_load %arg8[%get3A] {strides = array<i32>} : memref<6400xf32, #tpu.memory_space<vmem>>, vector<16xf32>,
        %get3A_359 = arith.index_cast %add3A_357 : i32 to index
        %get3A_360 = tpu.vector_load %arg13[%get3A_359] {strides = array<i32>} : memref<6400xf32, #tpu.memory_space<vmem>>, vector<16xf32>,
        %mul3A_361 = arith.mulf %get3A_358, %get3A_360 : vector<16xf32>
        %add3A_362 = arith.constant 0 : i32
        %add3A_363 = vector.broadcast %add3A_362 : i32 to vector<16xi32>
        %add3A_364 = arith.addi %add3A_355, %add3A_363 : vector<16xi32>
        %gt3A_365 = arith.cmpf ogt, %mul3A_361, %scan3A_335 : vector<16xf32>
        %select_n3A_366 = arith.select %gt3A_365, %mul3A_361, %scan3A_335 : vector<16xi1>, vector<16xf32>
        %select_n3A_367 = arith.select %gt3A_365, %add3A_364, %scan3A_343 : vector<16xi1>, vector<16xi32>
        %add3A_368 = arith.constant 16 : i32
        %add3A_369 = arith.addi %mul3A_352, %add3A_368 : i32
        %get3A_370 = arith.index_cast %add3A_369 : i32 to index
        %get3A_371 = tpu.vector_load %arg8[%get3A_370] {strides = array<i32>} : memref<6400xf32, #tpu.memory_space<vmem>>, vector<16xf32>,
        %get3A_372 = arith.index_cast %add3A_369 : i32 to index
        %get3A_373 = tpu.vector_load %arg13[%get3A_372] {strides = array<i32>} : memref<6400xf32, #tpu.memory_space<vmem>>, vector<16xf32>,
        %mul3A_374 = arith.mulf %get3A_371, %get3A_373 : vector<16xf32>
        %add3A_375 = arith.constant 16 : i32
        %add3A_376 = vector.broadcast %add3A_375 : i32 to vector<16xi32>
        %add3A_377 = arith.addi %add3A_355, %add3A_376 : vector<16xi32>
        %gt3A_378 = arith.cmpf ogt, %mul3A_374, %scan3A_336 : vector<16xf32>
        %select_n3A_379 = arith.select %gt3A_378, %mul3A_374, %scan3A_336 : vector<16xi1>, vector<16xf32>
        %select_n3A_380 = arith.select %gt3A_378, %add3A_377, %scan3A_344 : vector<16xi1>, vector<16xi32>
        %add3A_381 = arith.constant 32 : i32
        %add3A_382 = arith.addi %mul3A_352, %add3A_381 : i32
        %get3A_383 = arith.index_cast %add3A_382 : i32 to index
        %get3A_384 = tpu.vector_load %arg8[%get3A_383] {strides = array<i32>} : memref<6400xf32, #tpu.memory_space<vmem>>, vector<16xf32>,
        %get3A_385 = arith.index_cast %add3A_382 : i32 to index
        %get3A_386 = tpu.vector_load %arg13[%get3A_385] {strides = array<i32>} : memref<6400xf32, #tpu.memory_space<vmem>>, vector<16xf32>,
        %mul3A_387 = arith.mulf %get3A_384, %get3A_386 : vector<16xf32>
        %add3A_388 = arith.constant 32 : i32
        %add3A_389 = vector.broadcast %add3A_388 : i32 to vector<16xi32>
        %add3A_390 = arith.addi %add3A_355, %add3A_389 : vector<16xi32>
        %gt3A_391 = arith.cmpf ogt, %mul3A_387, %scan3A_337 : vector<16xf32>
        %select_n3A_392 = arith.select %gt3A_391, %mul3A_387, %scan3A_337 : vector<16xi1>, vector<16xf32>
        %select_n3A_393 = arith.select %gt3A_391, %add3A_390, %scan3A_345 : vector<16xi1>, vector<16xi32>
        %add3A_394 = arith.constant 48 : i32
        %add3A_395 = arith.addi %mul3A_352, %add3A_394 : i32
        %get3A_396 = arith.index_cast %add3A_395 : i32 to index
        %get3A_397 = tpu.vector_load %arg8[%get3A_396] {strides = array<i32>} : memref<6400xf32, #tpu.memory_space<vmem>>, vector<16xf32>,
        %get3A_398 = arith.index_cast %add3A_395 : i32 to index
        %get3A_399 = tpu.vector_load %arg13[%get3A_398] {strides = array<i32>} : memref<6400xf32, #tpu.memory_space<vmem>>, vector<16xf32>,
        %mul3A_400 = arith.mulf %get3A_397, %get3A_399 : vector<16xf32>
        %add3A_401 = arith.constant 48 : i32
        %add3A_402 = vector.broadcast %add3A_401 : i32 to vector<16xi32>
        %add3A_403 = arith.addi %add3A_355, %add3A_402 : vector<16xi32>
        %gt3A_404 = arith.cmpf ogt, %mul3A_400, %scan3A_338 : vector<16xf32>
        %select_n3A_405 = arith.select %gt3A_404, %mul3A_400, %scan3A_338 : vector<16xi1>, vector<16xf32>
        %select_n3A_406 = arith.select %gt3A_404, %add3A_403, %scan3A_346 : vector<16xi1>, vector<16xi32>
        %add3A_407 = arith.constant 64 : i32
        %add3A_408 = arith.addi %mul3A_352, %add3A_407 : i32
        %get3A_409 = arith.index_cast %add3A_408 : i32 to index
        %get3A_410 = tpu.vector_load %arg8[%get3A_409] {strides = array<i32>} : memref<6400xf32, #tpu.memory_space<vmem>>, vector<16xf32>,
        %get3A_411 = arith.index_cast %add3A_408 : i32 to index
        %get3A_412 = tpu.vector_load %arg13[%get3A_411] {strides = array<i32>} : memref<6400xf32, #tpu.memory_space<vmem>>, vector<16xf32>,
        %mul3A_413 = arith.mulf %get3A_410, %get3A_412 : vector<16xf32>
        %add3A_414 = arith.constant 64 : i32
        %add3A_415 = vector.broadcast %add3A_414 : i32 to vector<16xi32>
        %add3A_416 = arith.addi %add3A_355, %add3A_415 : vector<16xi32>
        %gt3A_417 = arith.cmpf ogt, %mul3A_413, %scan3A_339 : vector<16xf32>
        %select_n3A_418 = arith.select %gt3A_417, %mul3A_413, %scan3A_339 : vector<16xi1>, vector<16xf32>
        %select_n3A_419 = arith.select %gt3A_417, %add3A_416, %scan3A_347 : vector<16xi1>, vector<16xi32>
        %add3A_420 = arith.constant 80 : i32
        %add3A_421 = arith.addi %mul3A_352, %add3A_420 : i32
        %get3A_422 = arith.index_cast %add3A_421 : i32 to index
        %get3A_423 = tpu.vector_load %arg8[%get3A_422] {strides = array<i32>} : memref<6400xf32, #tpu.memory_space<vmem>>, vector<16xf32>,
        %get3A_424 = arith.index_cast %add3A_421 : i32 to index
        %get3A_425 = tpu.vector_load %arg13[%get3A_424] {strides = array<i32>} : memref<6400xf32, #tpu.memory_space<vmem>>, vector<16xf32>,
        %mul3A_426 = arith.mulf %get3A_423, %get3A_425 : vector<16xf32>
        %add3A_427 = arith.constant 80 : i32
        %add3A_428 = vector.broadcast %add3A_427 : i32 to vector<16xi32>
        %add3A_429 = arith.addi %add3A_355, %add3A_428 : vector<16xi32>
        %gt3A_430 = arith.cmpf ogt, %mul3A_426, %scan3A_340 : vector<16xf32>
        %select_n3A_431 = arith.select %gt3A_430, %mul3A_426, %scan3A_340 : vector<16xi1>, vector<16xf32>
        %select_n3A_432 = arith.select %gt3A_430, %add3A_429, %scan3A_348 : vector<16xi1>, vector<16xi32>
        %add3A_433 = arith.constant 96 : i32
        %add3A_434 = arith.addi %mul3A_352, %add3A_433 : i32
        %get3A_435 = arith.index_cast %add3A_434 : i32 to index
        %get3A_436 = tpu.vector_load %arg8[%get3A_435] {strides = array<i32>} : memref<6400xf32, #tpu.memory_space<vmem>>, vector<16xf32>,
        %get3A_437 = arith.index_cast %add3A_434 : i32 to index
        %get3A_438 = tpu.vector_load %arg13[%get3A_437] {strides = array<i32>} : memref<6400xf32, #tpu.memory_space<vmem>>, vector<16xf32>,
        %mul3A_439 = arith.mulf %get3A_436, %get3A_438 : vector<16xf32>
        %add3A_440 = arith.constant 96 : i32
        %add3A_441 = vector.broadcast %add3A_440 : i32 to vector<16xi32>
        %add3A_442 = arith.addi %add3A_355, %add3A_441 : vector<16xi32>
        %gt3A_443 = arith.cmpf ogt, %mul3A_439, %scan3A_341 : vector<16xf32>
        %select_n3A_444 = arith.select %gt3A_443, %mul3A_439, %scan3A_341 : vector<16xi1>, vector<16xf32>
        %select_n3A_445 = arith.select %gt3A_443, %add3A_442, %scan3A_349 : vector<16xi1>, vector<16xi32>
        %add3A_446 = arith.constant 112 : i32
        %add3A_447 = arith.addi %mul3A_352, %add3A_446 : i32
        %get3A_448 = arith.index_cast %add3A_447 : i32 to index
        %get3A_449 = tpu.vector_load %arg8[%get3A_448] {strides = array<i32>} : memref<6400xf32, #tpu.memory_space<vmem>>, vector<16xf32>,
        %get3A_450 = arith.index_cast %add3A_447 : i32 to index
        %get3A_451 = tpu.vector_load %arg13[%get3A_450] {strides = array<i32>} : memref<6400xf32, #tpu.memory_space<vmem>>, vector<16xf32>,
        %mul3A_452 = arith.mulf %get3A_449, %get3A_451 : vector<16xf32>
        %add3A_453 = arith.constant 112 : i32
        %add3A_454 = vector.broadcast %add3A_453 : i32 to vector<16xi32>
        %add3A_455 = arith.addi %add3A_355, %add3A_454 : vector<16xi32>
        %gt3A_456 = arith.cmpf ogt, %mul3A_452, %scan3A_342 : vector<16xf32>
        %select_n3A_457 = arith.select %gt3A_456, %mul3A_452, %scan3A_342 : vector<16xi1>, vector<16xf32>
        %select_n3A_458 = arith.select %gt3A_456, %add3A_455, %scan3A_350 : vector<16xi1>, vector<16xi32>
        scf.yield %select_n3A_366, %select_n3A_379, %select_n3A_392, %select_n3A_405, %select_n3A_418, %select_n3A_431, %select_n3A_444, %select_n3A_457, %select_n3A_367, %select_n3A_380, %select_n3A_393, %select_n3A_406, %select_n3A_419, %select_n3A_432, %select_n3A_445, %select_n3A_458 : vector<16xf32>, vector<16xf32>, vector<16xf32>, vector<16xf32>, vector<16xf32>, vector<16xf32>, vector<16xf32>, vector<16xf32>, vector<16xi32>, vector<16xi32>, vector<16xi32>, vector<16xi32>, vector<16xi32>, vector<16xi32>, vector<16xi32>, vector<16xi32>
      }
      %scan3A_255 = arith.constant 50 : i32
      %mul3A_256 = arith.constant 5 : i32
      %mul3A_257 = arith.muli %scan3A_126, %mul3A_256 : i32
      %add3A_258 = arith.constant 3 : i32
      %add3A_259 = arith.addi %mul3A_257, %add3A_258 : i32
      %add3A_260 = arith.constant 5 : i32
      %add3A_261 = arith.addi %add3A_259, %add3A_260 : i32
      %sub3A_262 = arith.constant 1 : i32
      %sub3A_263 = arith.subi %add3A_261, %sub3A_262 : i32
      %lt3A_264 = arith.constant 125 : i32
      %lt3A_265 = arith.cmpi slt, %sub3A_263, %lt3A_264 : i32
      %convert_element_type3A_266 = arith.extui %lt3A_265 : i1 to i32
      %cond3A_267 = arith.constant 0 : i32
      %cond3A_268 = arith.cmpi ne, %convert_element_type3A_266, %cond3A_267 : i32
      scf.if %cond3A_268 {
        %add3A_334 = arith.constant 5 : i32
        %add3A_335 = arith.addi %add3A_259, %add3A_334 : i32
        %sub3A_336 = arith.constant 1 : i32
        %sub3A_337 = arith.subi %add3A_335, %sub3A_336 : i32
        %mul3A_338 = arith.constant 32 : i32
        %mul3A_339 = arith.muli %sub3A_337, %mul3A_338 : i32
        %add3A_340 = arith.addi %mul3A_339, %add3A : i32
        %mul3A_341 = arith.constant 6400 : i32
        %mul3A_342 = arith.muli %add3A_340, %mul3A_341 : i32
        %dma_start3A_343 = arith.constant 2 : i32
        %dma_start3A_344 = tpu.memref_slice %arg2[%mul3A_342] : memref<25600000xf32, #tpu.memory_space<hbm>> -> memref<6400xf32, #tpu.memory_space<hbm>>
        %dma_start3A_345 = tpu.memref_slice %arg18[%dma_start3A_343] : memref<5x!tpu.dma_semaphore, #tpu.memory_space<semaphore_mem>> -> memref<1x!tpu.dma_semaphore, #tpu.memory_space<semaphore_mem>>
        %dma_start3A_346 = tpu.memref_squeeze %dma_start3A_345 : memref<1x!tpu.dma_semaphore, #tpu.memory_space<semaphore_mem>> -> memref<!tpu.dma_semaphore, #tpu.memory_space<semaphore_mem>>
        %dma_start3A_347 = tpu.memref_slice %arg2[%mul3A_342] : memref<25600000xf32, #tpu.memory_space<hbm>> -> memref<6400xf32, #tpu.memory_space<hbm>>
        tpu.enqueue_dma source(%dma_start3A_347 : memref<6400xf32, #tpu.memory_space<hbm>>) target(%arg8 : memref<6400xf32, #tpu.memory_space<vmem>>) target_semaphore(%dma_start3A_346 : memref<!tpu.dma_semaphore, #tpu.memory_space<semaphore_mem>>)
        %dma_start3A_348 = arith.constant 2 : i32
        %dma_start3A_349 = tpu.memref_slice %arg3[%mul3A_342] : memref<25600000xf32, #tpu.memory_space<hbm>> -> memref<6400xf32, #tpu.memory_space<hbm>>
        %dma_start3A_350 = tpu.memref_slice %arg19[%dma_start3A_348] : memref<5x!tpu.dma_semaphore, #tpu.memory_space<semaphore_mem>> -> memref<1x!tpu.dma_semaphore, #tpu.memory_space<semaphore_mem>>
        %dma_start3A_351 = tpu.memref_squeeze %dma_start3A_350 : memref<1x!tpu.dma_semaphore, #tpu.memory_space<semaphore_mem>> -> memref<!tpu.dma_semaphore, #tpu.memory_space<semaphore_mem>>
        %dma_start3A_352 = tpu.memref_slice %arg3[%mul3A_342] : memref<25600000xf32, #tpu.memory_space<hbm>> -> memref<6400xf32, #tpu.memory_space<hbm>>
        tpu.enqueue_dma source(%dma_start3A_352 : memref<6400xf32, #tpu.memory_space<hbm>>) target(%arg13 : memref<6400xf32, #tpu.memory_space<vmem>>) target_semaphore(%dma_start3A_351 : memref<!tpu.dma_semaphore, #tpu.memory_space<semaphore_mem>>)
      } else {
      }
      %mul3A_269 = arith.constant 32 : i32
      %mul3A_270 = arith.muli %add3A_259, %mul3A_269 : i32
      %add3A_271 = arith.addi %mul3A_270, %add3A : i32
      %mul3A_272 = arith.constant 6400 : i32
      %mul3A_273 = arith.muli %add3A_271, %mul3A_272 : i32
      %dma_wait3A_274 = arith.constant 3 : i32
      %dma_wait3A_275 = tpu.memref_slice %arg2[%mul3A_273] : memref<25600000xf32, #tpu.memory_space<hbm>> -> memref<6400xf32, #tpu.memory_space<hbm>>
      %dma_wait3A_276 = tpu.memref_slice %arg18[%dma_wait3A_274] : memref<5x!tpu.dma_semaphore, #tpu.memory_space<semaphore_mem>> -> memref<1x!tpu.dma_semaphore, #tpu.memory_space<semaphore_mem>>
      %dma_wait3A_277 = tpu.memref_squeeze %dma_wait3A_276 : memref<1x!tpu.dma_semaphore, #tpu.memory_space<semaphore_mem>> -> memref<!tpu.dma_semaphore, #tpu.memory_space<semaphore_mem>>
      %dma_wait3A_278 = tpu.memref_slice %arg2[%mul3A_273] : memref<25600000xf32, #tpu.memory_space<hbm>> -> memref<6400xf32, #tpu.memory_space<hbm>>
      tpu.wait_dma2 semaphore(%dma_wait3A_277 : memref<!tpu.dma_semaphore, #tpu.memory_space<semaphore_mem>>) src(%dma_wait3A_278 : memref<6400xf32, #tpu.memory_space<hbm>>) dst(%arg9 : memref<6400xf32, #tpu.memory_space<vmem>>)
      %dma_wait3A_279 = arith.constant 3 : i32
      %dma_wait3A_280 = tpu.memref_slice %arg3[%mul3A_273] : memref<25600000xf32, #tpu.memory_space<hbm>> -> memref<6400xf32, #tpu.memory_space<hbm>>
      %dma_wait3A_281 = tpu.memref_slice %arg19[%dma_wait3A_279] : memref<5x!tpu.dma_semaphore, #tpu.memory_space<semaphore_mem>> -> memref<1x!tpu.dma_semaphore, #tpu.memory_space<semaphore_mem>>
      %dma_wait3A_282 = tpu.memref_squeeze %dma_wait3A_281 : memref<1x!tpu.dma_semaphore, #tpu.memory_space<semaphore_mem>> -> memref<!tpu.dma_semaphore, #tpu.memory_space<semaphore_mem>>
      %dma_wait3A_283 = tpu.memref_slice %arg3[%mul3A_273] : memref<25600000xf32, #tpu.memory_space<hbm>> -> memref<6400xf32, #tpu.memory_space<hbm>>
      tpu.wait_dma2 semaphore(%dma_wait3A_282 : memref<!tpu.dma_semaphore, #tpu.memory_space<semaphore_mem>>) src(%dma_wait3A_283 : memref<6400xf32, #tpu.memory_space<hbm>>) dst(%arg14 : memref<6400xf32, #tpu.memory_space<vmem>>)
      %mul3A_284 = arith.constant 32 : i32
      %mul3A_285 = arith.muli %add3A_259, %mul3A_284 : i32
      %add3A_286 = arith.addi %mul3A_285, %add3A : i32
      %mul3A_287 = arith.constant 6400 : i32
      %mul3A_288 = arith.muli %add3A_286, %mul3A_287 : i32
      %scan3A_289 = arith.constant 0 : i32
      %scan3A_290 = arith.constant 50 : i32
      %scan3A_291 = arith.addi %scan3A_289, %scan3A_290 : i32
      %scan3A_292 = arith.constant 1 : i32
      %scan3A_293:16 = scf.for %scan3A_334 = %scan3A_289 to %scan3A_291 step %scan3A_292 iter_args(%scan3A_335 = %scan3A_254#0, %scan3A_336 = %scan3A_254#1, %scan3A_337 = %scan3A_254#2, %scan3A_338 = %scan3A_254#3, %scan3A_339 = %scan3A_254#4, %scan3A_340 = %scan3A_254#5, %scan3A_341 = %scan3A_254#6, %scan3A_342 = %scan3A_254#7, %scan3A_343 = %scan3A_254#8, %scan3A_344 = %scan3A_254#9, %scan3A_345 = %scan3A_254#10, %scan3A_346 = %scan3A_254#11, %scan3A_347 = %scan3A_254#12, %scan3A_348 = %scan3A_254#13, %scan3A_349 = %scan3A_254#14, %scan3A_350 = %scan3A_254#15) -> (vector<16xf32>, vector<16xf32>, vector<16xf32>, vector<16xf32>, vector<16xf32>, vector<16xf32>, vector<16xf32>, vector<16xf32>, vector<16xi32>, vector<16xi32>, vector<16xi32>, vector<16xi32>, vector<16xi32>, vector<16xi32>, vector<16xi32>, vector<16xi32>)  : i32 {
        %mul3A_351 = arith.constant 128 : i32
        %mul3A_352 = arith.muli %scan3A_334, %mul3A_351 : i32
        %add3A_353 = arith.addi %mul3A_288, %mul3A_352 : i32
        %add3A_354 = vector.broadcast %add3A_353 : i32 to vector<16xi32>
        %add3A_355 = arith.addi %add3A_354, %iota3A : vector<16xi32>
        %add3A_356 = arith.constant 0 : i32
        %add3A_357 = arith.addi %mul3A_352, %add3A_356 : i32
        %get3A = arith.index_cast %add3A_357 : i32 to index
        %get3A_358 = tpu.vector_load %arg9[%get3A] {strides = array<i32>} : memref<6400xf32, #tpu.memory_space<vmem>>, vector<16xf32>,
        %get3A_359 = arith.index_cast %add3A_357 : i32 to index
        %get3A_360 = tpu.vector_load %arg14[%get3A_359] {strides = array<i32>} : memref<6400xf32, #tpu.memory_space<vmem>>, vector<16xf32>,
        %mul3A_361 = arith.mulf %get3A_358, %get3A_360 : vector<16xf32>
        %add3A_362 = arith.constant 0 : i32
        %add3A_363 = vector.broadcast %add3A_362 : i32 to vector<16xi32>
        %add3A_364 = arith.addi %add3A_355, %add3A_363 : vector<16xi32>
        %gt3A_365 = arith.cmpf ogt, %mul3A_361, %scan3A_335 : vector<16xf32>
        %select_n3A_366 = arith.select %gt3A_365, %mul3A_361, %scan3A_335 : vector<16xi1>, vector<16xf32>
        %select_n3A_367 = arith.select %gt3A_365, %add3A_364, %scan3A_343 : vector<16xi1>, vector<16xi32>
        %add3A_368 = arith.constant 16 : i32
        %add3A_369 = arith.addi %mul3A_352, %add3A_368 : i32
        %get3A_370 = arith.index_cast %add3A_369 : i32 to index
        %get3A_371 = tpu.vector_load %arg9[%get3A_370] {strides = array<i32>} : memref<6400xf32, #tpu.memory_space<vmem>>, vector<16xf32>,
        %get3A_372 = arith.index_cast %add3A_369 : i32 to index
        %get3A_373 = tpu.vector_load %arg14[%get3A_372] {strides = array<i32>} : memref<6400xf32, #tpu.memory_space<vmem>>, vector<16xf32>,
        %mul3A_374 = arith.mulf %get3A_371, %get3A_373 : vector<16xf32>
        %add3A_375 = arith.constant 16 : i32
        %add3A_376 = vector.broadcast %add3A_375 : i32 to vector<16xi32>
        %add3A_377 = arith.addi %add3A_355, %add3A_376 : vector<16xi32>
        %gt3A_378 = arith.cmpf ogt, %mul3A_374, %scan3A_336 : vector<16xf32>
        %select_n3A_379 = arith.select %gt3A_378, %mul3A_374, %scan3A_336 : vector<16xi1>, vector<16xf32>
        %select_n3A_380 = arith.select %gt3A_378, %add3A_377, %scan3A_344 : vector<16xi1>, vector<16xi32>
        %add3A_381 = arith.constant 32 : i32
        %add3A_382 = arith.addi %mul3A_352, %add3A_381 : i32
        %get3A_383 = arith.index_cast %add3A_382 : i32 to index
        %get3A_384 = tpu.vector_load %arg9[%get3A_383] {strides = array<i32>} : memref<6400xf32, #tpu.memory_space<vmem>>, vector<16xf32>,
        %get3A_385 = arith.index_cast %add3A_382 : i32 to index
        %get3A_386 = tpu.vector_load %arg14[%get3A_385] {strides = array<i32>} : memref<6400xf32, #tpu.memory_space<vmem>>, vector<16xf32>,
        %mul3A_387 = arith.mulf %get3A_384, %get3A_386 : vector<16xf32>
        %add3A_388 = arith.constant 32 : i32
        %add3A_389 = vector.broadcast %add3A_388 : i32 to vector<16xi32>
        %add3A_390 = arith.addi %add3A_355, %add3A_389 : vector<16xi32>
        %gt3A_391 = arith.cmpf ogt, %mul3A_387, %scan3A_337 : vector<16xf32>
        %select_n3A_392 = arith.select %gt3A_391, %mul3A_387, %scan3A_337 : vector<16xi1>, vector<16xf32>
        %select_n3A_393 = arith.select %gt3A_391, %add3A_390, %scan3A_345 : vector<16xi1>, vector<16xi32>
        %add3A_394 = arith.constant 48 : i32
        %add3A_395 = arith.addi %mul3A_352, %add3A_394 : i32
        %get3A_396 = arith.index_cast %add3A_395 : i32 to index
        %get3A_397 = tpu.vector_load %arg9[%get3A_396] {strides = array<i32>} : memref<6400xf32, #tpu.memory_space<vmem>>, vector<16xf32>,
        %get3A_398 = arith.index_cast %add3A_395 : i32 to index
        %get3A_399 = tpu.vector_load %arg14[%get3A_398] {strides = array<i32>} : memref<6400xf32, #tpu.memory_space<vmem>>, vector<16xf32>,
        %mul3A_400 = arith.mulf %get3A_397, %get3A_399 : vector<16xf32>
        %add3A_401 = arith.constant 48 : i32
        %add3A_402 = vector.broadcast %add3A_401 : i32 to vector<16xi32>
        %add3A_403 = arith.addi %add3A_355, %add3A_402 : vector<16xi32>
        %gt3A_404 = arith.cmpf ogt, %mul3A_400, %scan3A_338 : vector<16xf32>
        %select_n3A_405 = arith.select %gt3A_404, %mul3A_400, %scan3A_338 : vector<16xi1>, vector<16xf32>
        %select_n3A_406 = arith.select %gt3A_404, %add3A_403, %scan3A_346 : vector<16xi1>, vector<16xi32>
        %add3A_407 = arith.constant 64 : i32
        %add3A_408 = arith.addi %mul3A_352, %add3A_407 : i32
        %get3A_409 = arith.index_cast %add3A_408 : i32 to index
        %get3A_410 = tpu.vector_load %arg9[%get3A_409] {strides = array<i32>} : memref<6400xf32, #tpu.memory_space<vmem>>, vector<16xf32>,
        %get3A_411 = arith.index_cast %add3A_408 : i32 to index
        %get3A_412 = tpu.vector_load %arg14[%get3A_411] {strides = array<i32>} : memref<6400xf32, #tpu.memory_space<vmem>>, vector<16xf32>,
        %mul3A_413 = arith.mulf %get3A_410, %get3A_412 : vector<16xf32>
        %add3A_414 = arith.constant 64 : i32
        %add3A_415 = vector.broadcast %add3A_414 : i32 to vector<16xi32>
        %add3A_416 = arith.addi %add3A_355, %add3A_415 : vector<16xi32>
        %gt3A_417 = arith.cmpf ogt, %mul3A_413, %scan3A_339 : vector<16xf32>
        %select_n3A_418 = arith.select %gt3A_417, %mul3A_413, %scan3A_339 : vector<16xi1>, vector<16xf32>
        %select_n3A_419 = arith.select %gt3A_417, %add3A_416, %scan3A_347 : vector<16xi1>, vector<16xi32>
        %add3A_420 = arith.constant 80 : i32
        %add3A_421 = arith.addi %mul3A_352, %add3A_420 : i32
        %get3A_422 = arith.index_cast %add3A_421 : i32 to index
        %get3A_423 = tpu.vector_load %arg9[%get3A_422] {strides = array<i32>} : memref<6400xf32, #tpu.memory_space<vmem>>, vector<16xf32>,
        %get3A_424 = arith.index_cast %add3A_421 : i32 to index
        %get3A_425 = tpu.vector_load %arg14[%get3A_424] {strides = array<i32>} : memref<6400xf32, #tpu.memory_space<vmem>>, vector<16xf32>,
        %mul3A_426 = arith.mulf %get3A_423, %get3A_425 : vector<16xf32>
        %add3A_427 = arith.constant 80 : i32
        %add3A_428 = vector.broadcast %add3A_427 : i32 to vector<16xi32>
        %add3A_429 = arith.addi %add3A_355, %add3A_428 : vector<16xi32>
        %gt3A_430 = arith.cmpf ogt, %mul3A_426, %scan3A_340 : vector<16xf32>
        %select_n3A_431 = arith.select %gt3A_430, %mul3A_426, %scan3A_340 : vector<16xi1>, vector<16xf32>
        %select_n3A_432 = arith.select %gt3A_430, %add3A_429, %scan3A_348 : vector<16xi1>, vector<16xi32>
        %add3A_433 = arith.constant 96 : i32
        %add3A_434 = arith.addi %mul3A_352, %add3A_433 : i32
        %get3A_435 = arith.index_cast %add3A_434 : i32 to index
        %get3A_436 = tpu.vector_load %arg9[%get3A_435] {strides = array<i32>} : memref<6400xf32, #tpu.memory_space<vmem>>, vector<16xf32>,
        %get3A_437 = arith.index_cast %add3A_434 : i32 to index
        %get3A_438 = tpu.vector_load %arg14[%get3A_437] {strides = array<i32>} : memref<6400xf32, #tpu.memory_space<vmem>>, vector<16xf32>,
        %mul3A_439 = arith.mulf %get3A_436, %get3A_438 : vector<16xf32>
        %add3A_440 = arith.constant 96 : i32
        %add3A_441 = vector.broadcast %add3A_440 : i32 to vector<16xi32>
        %add3A_442 = arith.addi %add3A_355, %add3A_441 : vector<16xi32>
        %gt3A_443 = arith.cmpf ogt, %mul3A_439, %scan3A_341 : vector<16xf32>
        %select_n3A_444 = arith.select %gt3A_443, %mul3A_439, %scan3A_341 : vector<16xi1>, vector<16xf32>
        %select_n3A_445 = arith.select %gt3A_443, %add3A_442, %scan3A_349 : vector<16xi1>, vector<16xi32>
        %add3A_446 = arith.constant 112 : i32
        %add3A_447 = arith.addi %mul3A_352, %add3A_446 : i32
        %get3A_448 = arith.index_cast %add3A_447 : i32 to index
        %get3A_449 = tpu.vector_load %arg9[%get3A_448] {strides = array<i32>} : memref<6400xf32, #tpu.memory_space<vmem>>, vector<16xf32>,
        %get3A_450 = arith.index_cast %add3A_447 : i32 to index
        %get3A_451 = tpu.vector_load %arg14[%get3A_450] {strides = array<i32>} : memref<6400xf32, #tpu.memory_space<vmem>>, vector<16xf32>,
        %mul3A_452 = arith.mulf %get3A_449, %get3A_451 : vector<16xf32>
        %add3A_453 = arith.constant 112 : i32
        %add3A_454 = vector.broadcast %add3A_453 : i32 to vector<16xi32>
        %add3A_455 = arith.addi %add3A_355, %add3A_454 : vector<16xi32>
        %gt3A_456 = arith.cmpf ogt, %mul3A_452, %scan3A_342 : vector<16xf32>
        %select_n3A_457 = arith.select %gt3A_456, %mul3A_452, %scan3A_342 : vector<16xi1>, vector<16xf32>
        %select_n3A_458 = arith.select %gt3A_456, %add3A_455, %scan3A_350 : vector<16xi1>, vector<16xi32>
        scf.yield %select_n3A_366, %select_n3A_379, %select_n3A_392, %select_n3A_405, %select_n3A_418, %select_n3A_431, %select_n3A_444, %select_n3A_457, %select_n3A_367, %select_n3A_380, %select_n3A_393, %select_n3A_406, %select_n3A_419, %select_n3A_432, %select_n3A_445, %select_n3A_458 : vector<16xf32>, vector<16xf32>, vector<16xf32>, vector<16xf32>, vector<16xf32>, vector<16xf32>, vector<16xf32>, vector<16xf32>, vector<16xi32>, vector<16xi32>, vector<16xi32>, vector<16xi32>, vector<16xi32>, vector<16xi32>, vector<16xi32>, vector<16xi32>
      }
      %scan3A_294 = arith.constant 50 : i32
      %mul3A_295 = arith.constant 5 : i32
      %mul3A_296 = arith.muli %scan3A_126, %mul3A_295 : i32
      %add3A_297 = arith.constant 4 : i32
      %add3A_298 = arith.addi %mul3A_296, %add3A_297 : i32
      %add3A_299 = arith.constant 5 : i32
      %add3A_300 = arith.addi %add3A_298, %add3A_299 : i32
      %sub3A_301 = arith.constant 1 : i32
      %sub3A_302 = arith.subi %add3A_300, %sub3A_301 : i32
      %lt3A_303 = arith.constant 125 : i32
      %lt3A_304 = arith.cmpi slt, %sub3A_302, %lt3A_303 : i32
      %convert_element_type3A_305 = arith.extui %lt3A_304 : i1 to i32
      %cond3A_306 = arith.constant 0 : i32
      %cond3A_307 = arith.cmpi ne, %convert_element_type3A_305, %cond3A_306 : i32
      scf.if %cond3A_307 {
        %add3A_334 = arith.constant 5 : i32
        %add3A_335 = arith.addi %add3A_298, %add3A_334 : i32
        %sub3A_336 = arith.constant 1 : i32
        %sub3A_337 = arith.subi %add3A_335, %sub3A_336 : i32
        %mul3A_338 = arith.constant 32 : i32
        %mul3A_339 = arith.muli %sub3A_337, %mul3A_338 : i32
        %add3A_340 = arith.addi %mul3A_339, %add3A : i32
        %mul3A_341 = arith.constant 6400 : i32
        %mul3A_342 = arith.muli %add3A_340, %mul3A_341 : i32
        %dma_start3A_343 = arith.constant 3 : i32
        %dma_start3A_344 = tpu.memref_slice %arg2[%mul3A_342] : memref<25600000xf32, #tpu.memory_space<hbm>> -> memref<6400xf32, #tpu.memory_space<hbm>>
        %dma_start3A_345 = tpu.memref_slice %arg18[%dma_start3A_343] : memref<5x!tpu.dma_semaphore, #tpu.memory_space<semaphore_mem>> -> memref<1x!tpu.dma_semaphore, #tpu.memory_space<semaphore_mem>>
        %dma_start3A_346 = tpu.memref_squeeze %dma_start3A_345 : memref<1x!tpu.dma_semaphore, #tpu.memory_space<semaphore_mem>> -> memref<!tpu.dma_semaphore, #tpu.memory_space<semaphore_mem>>
        %dma_start3A_347 = tpu.memref_slice %arg2[%mul3A_342] : memref<25600000xf32, #tpu.memory_space<hbm>> -> memref<6400xf32, #tpu.memory_space<hbm>>
        tpu.enqueue_dma source(%dma_start3A_347 : memref<6400xf32, #tpu.memory_space<hbm>>) target(%arg9 : memref<6400xf32, #tpu.memory_space<vmem>>) target_semaphore(%dma_start3A_346 : memref<!tpu.dma_semaphore, #tpu.memory_space<semaphore_mem>>)
        %dma_start3A_348 = arith.constant 3 : i32
        %dma_start3A_349 = tpu.memref_slice %arg3[%mul3A_342] : memref<25600000xf32, #tpu.memory_space<hbm>> -> memref<6400xf32, #tpu.memory_space<hbm>>
        %dma_start3A_350 = tpu.memref_slice %arg19[%dma_start3A_348] : memref<5x!tpu.dma_semaphore, #tpu.memory_space<semaphore_mem>> -> memref<1x!tpu.dma_semaphore, #tpu.memory_space<semaphore_mem>>
        %dma_start3A_351 = tpu.memref_squeeze %dma_start3A_350 : memref<1x!tpu.dma_semaphore, #tpu.memory_space<semaphore_mem>> -> memref<!tpu.dma_semaphore, #tpu.memory_space<semaphore_mem>>
        %dma_start3A_352 = tpu.memref_slice %arg3[%mul3A_342] : memref<25600000xf32, #tpu.memory_space<hbm>> -> memref<6400xf32, #tpu.memory_space<hbm>>
        tpu.enqueue_dma source(%dma_start3A_352 : memref<6400xf32, #tpu.memory_space<hbm>>) target(%arg14 : memref<6400xf32, #tpu.memory_space<vmem>>) target_semaphore(%dma_start3A_351 : memref<!tpu.dma_semaphore, #tpu.memory_space<semaphore_mem>>)
      } else {
      }
      %mul3A_308 = arith.constant 32 : i32
      %mul3A_309 = arith.muli %add3A_298, %mul3A_308 : i32
      %add3A_310 = arith.addi %mul3A_309, %add3A : i32
      %mul3A_311 = arith.constant 6400 : i32
      %mul3A_312 = arith.muli %add3A_310, %mul3A_311 : i32
      %dma_wait3A_313 = arith.constant 4 : i32
      %dma_wait3A_314 = tpu.memref_slice %arg2[%mul3A_312] : memref<25600000xf32, #tpu.memory_space<hbm>> -> memref<6400xf32, #tpu.memory_space<hbm>>
      %dma_wait3A_315 = tpu.memref_slice %arg18[%dma_wait3A_313] : memref<5x!tpu.dma_semaphore, #tpu.memory_space<semaphore_mem>> -> memref<1x!tpu.dma_semaphore, #tpu.memory_space<semaphore_mem>>
      %dma_wait3A_316 = tpu.memref_squeeze %dma_wait3A_315 : memref<1x!tpu.dma_semaphore, #tpu.memory_space<semaphore_mem>> -> memref<!tpu.dma_semaphore, #tpu.memory_space<semaphore_mem>>
      %dma_wait3A_317 = tpu.memref_slice %arg2[%mul3A_312] : memref<25600000xf32, #tpu.memory_space<hbm>> -> memref<6400xf32, #tpu.memory_space<hbm>>
      tpu.wait_dma2 semaphore(%dma_wait3A_316 : memref<!tpu.dma_semaphore, #tpu.memory_space<semaphore_mem>>) src(%dma_wait3A_317 : memref<6400xf32, #tpu.memory_space<hbm>>) dst(%arg10 : memref<6400xf32, #tpu.memory_space<vmem>>)
      %dma_wait3A_318 = arith.constant 4 : i32
      %dma_wait3A_319 = tpu.memref_slice %arg3[%mul3A_312] : memref<25600000xf32, #tpu.memory_space<hbm>> -> memref<6400xf32, #tpu.memory_space<hbm>>
      %dma_wait3A_320 = tpu.memref_slice %arg19[%dma_wait3A_318] : memref<5x!tpu.dma_semaphore, #tpu.memory_space<semaphore_mem>> -> memref<1x!tpu.dma_semaphore, #tpu.memory_space<semaphore_mem>>
      %dma_wait3A_321 = tpu.memref_squeeze %dma_wait3A_320 : memref<1x!tpu.dma_semaphore, #tpu.memory_space<semaphore_mem>> -> memref<!tpu.dma_semaphore, #tpu.memory_space<semaphore_mem>>
      %dma_wait3A_322 = tpu.memref_slice %arg3[%mul3A_312] : memref<25600000xf32, #tpu.memory_space<hbm>> -> memref<6400xf32, #tpu.memory_space<hbm>>
      tpu.wait_dma2 semaphore(%dma_wait3A_321 : memref<!tpu.dma_semaphore, #tpu.memory_space<semaphore_mem>>) src(%dma_wait3A_322 : memref<6400xf32, #tpu.memory_space<hbm>>) dst(%arg15 : memref<6400xf32, #tpu.memory_space<vmem>>)
      %mul3A_323 = arith.constant 32 : i32
      %mul3A_324 = arith.muli %add3A_298, %mul3A_323 : i32
      %add3A_325 = arith.addi %mul3A_324, %add3A : i32
      %mul3A_326 = arith.constant 6400 : i32
      %mul3A_327 = arith.muli %add3A_325, %mul3A_326 : i32
      %scan3A_328 = arith.constant 0 : i32
      %scan3A_329 = arith.constant 50 : i32
      %scan3A_330 = arith.addi %scan3A_328, %scan3A_329 : i32
      %scan3A_331 = arith.constant 1 : i32
      %scan3A_332:16 = scf.for %scan3A_334 = %scan3A_328 to %scan3A_330 step %scan3A_331 iter_args(%scan3A_335 = %scan3A_293#0, %scan3A_336 = %scan3A_293#1, %scan3A_337 = %scan3A_293#2, %scan3A_338 = %scan3A_293#3, %scan3A_339 = %scan3A_293#4, %scan3A_340 = %scan3A_293#5, %scan3A_341 = %scan3A_293#6, %scan3A_342 = %scan3A_293#7, %scan3A_343 = %scan3A_293#8, %scan3A_344 = %scan3A_293#9, %scan3A_345 = %scan3A_293#10, %scan3A_346 = %scan3A_293#11, %scan3A_347 = %scan3A_293#12, %scan3A_348 = %scan3A_293#13, %scan3A_349 = %scan3A_293#14, %scan3A_350 = %scan3A_293#15) -> (vector<16xf32>, vector<16xf32>, vector<16xf32>, vector<16xf32>, vector<16xf32>, vector<16xf32>, vector<16xf32>, vector<16xf32>, vector<16xi32>, vector<16xi32>, vector<16xi32>, vector<16xi32>, vector<16xi32>, vector<16xi32>, vector<16xi32>, vector<16xi32>)  : i32 {
        %mul3A_351 = arith.constant 128 : i32
        %mul3A_352 = arith.muli %scan3A_334, %mul3A_351 : i32
        %add3A_353 = arith.addi %mul3A_327, %mul3A_352 : i32
        %add3A_354 = vector.broadcast %add3A_353 : i32 to vector<16xi32>
        %add3A_355 = arith.addi %add3A_354, %iota3A : vector<16xi32>
        %add3A_356 = arith.constant 0 : i32
        %add3A_357 = arith.addi %mul3A_352, %add3A_356 : i32
        %get3A = arith.index_cast %add3A_357 : i32 to index
        %get3A_358 = tpu.vector_load %arg10[%get3A] {strides = array<i32>} : memref<6400xf32, #tpu.memory_space<vmem>>, vector<16xf32>,
        %get3A_359 = arith.index_cast %add3A_357 : i32 to index
        %get3A_360 = tpu.vector_load %arg15[%get3A_359] {strides = array<i32>} : memref<6400xf32, #tpu.memory_space<vmem>>, vector<16xf32>,
        %mul3A_361 = arith.mulf %get3A_358, %get3A_360 : vector<16xf32>
        %add3A_362 = arith.constant 0 : i32
        %add3A_363 = vector.broadcast %add3A_362 : i32 to vector<16xi32>
        %add3A_364 = arith.addi %add3A_355, %add3A_363 : vector<16xi32>
        %gt3A_365 = arith.cmpf ogt, %mul3A_361, %scan3A_335 : vector<16xf32>
        %select_n3A_366 = arith.select %gt3A_365, %mul3A_361, %scan3A_335 : vector<16xi1>, vector<16xf32>
        %select_n3A_367 = arith.select %gt3A_365, %add3A_364, %scan3A_343 : vector<16xi1>, vector<16xi32>
        %add3A_368 = arith.constant 16 : i32
        %add3A_369 = arith.addi %mul3A_352, %add3A_368 : i32
        %get3A_370 = arith.index_cast %add3A_369 : i32 to index
        %get3A_371 = tpu.vector_load %arg10[%get3A_370] {strides = array<i32>} : memref<6400xf32, #tpu.memory_space<vmem>>, vector<16xf32>,
        %get3A_372 = arith.index_cast %add3A_369 : i32 to index
        %get3A_373 = tpu.vector_load %arg15[%get3A_372] {strides = array<i32>} : memref<6400xf32, #tpu.memory_space<vmem>>, vector<16xf32>,
        %mul3A_374 = arith.mulf %get3A_371, %get3A_373 : vector<16xf32>
        %add3A_375 = arith.constant 16 : i32
        %add3A_376 = vector.broadcast %add3A_375 : i32 to vector<16xi32>
        %add3A_377 = arith.addi %add3A_355, %add3A_376 : vector<16xi32>
        %gt3A_378 = arith.cmpf ogt, %mul3A_374, %scan3A_336 : vector<16xf32>
        %select_n3A_379 = arith.select %gt3A_378, %mul3A_374, %scan3A_336 : vector<16xi1>, vector<16xf32>
        %select_n3A_380 = arith.select %gt3A_378, %add3A_377, %scan3A_344 : vector<16xi1>, vector<16xi32>
        %add3A_381 = arith.constant 32 : i32
        %add3A_382 = arith.addi %mul3A_352, %add3A_381 : i32
        %get3A_383 = arith.index_cast %add3A_382 : i32 to index
        %get3A_384 = tpu.vector_load %arg10[%get3A_383] {strides = array<i32>} : memref<6400xf32, #tpu.memory_space<vmem>>, vector<16xf32>,
        %get3A_385 = arith.index_cast %add3A_382 : i32 to index
        %get3A_386 = tpu.vector_load %arg15[%get3A_385] {strides = array<i32>} : memref<6400xf32, #tpu.memory_space<vmem>>, vector<16xf32>,
        %mul3A_387 = arith.mulf %get3A_384, %get3A_386 : vector<16xf32>
        %add3A_388 = arith.constant 32 : i32
        %add3A_389 = vector.broadcast %add3A_388 : i32 to vector<16xi32>
        %add3A_390 = arith.addi %add3A_355, %add3A_389 : vector<16xi32>
        %gt3A_391 = arith.cmpf ogt, %mul3A_387, %scan3A_337 : vector<16xf32>
        %select_n3A_392 = arith.select %gt3A_391, %mul3A_387, %scan3A_337 : vector<16xi1>, vector<16xf32>
        %select_n3A_393 = arith.select %gt3A_391, %add3A_390, %scan3A_345 : vector<16xi1>, vector<16xi32>
        %add3A_394 = arith.constant 48 : i32
        %add3A_395 = arith.addi %mul3A_352, %add3A_394 : i32
        %get3A_396 = arith.index_cast %add3A_395 : i32 to index
        %get3A_397 = tpu.vector_load %arg10[%get3A_396] {strides = array<i32>} : memref<6400xf32, #tpu.memory_space<vmem>>, vector<16xf32>,
        %get3A_398 = arith.index_cast %add3A_395 : i32 to index
        %get3A_399 = tpu.vector_load %arg15[%get3A_398] {strides = array<i32>} : memref<6400xf32, #tpu.memory_space<vmem>>, vector<16xf32>,
        %mul3A_400 = arith.mulf %get3A_397, %get3A_399 : vector<16xf32>
        %add3A_401 = arith.constant 48 : i32
        %add3A_402 = vector.broadcast %add3A_401 : i32 to vector<16xi32>
        %add3A_403 = arith.addi %add3A_355, %add3A_402 : vector<16xi32>
        %gt3A_404 = arith.cmpf ogt, %mul3A_400, %scan3A_338 : vector<16xf32>
        %select_n3A_405 = arith.select %gt3A_404, %mul3A_400, %scan3A_338 : vector<16xi1>, vector<16xf32>
        %select_n3A_406 = arith.select %gt3A_404, %add3A_403, %scan3A_346 : vector<16xi1>, vector<16xi32>
        %add3A_407 = arith.constant 64 : i32
        %add3A_408 = arith.addi %mul3A_352, %add3A_407 : i32
        %get3A_409 = arith.index_cast %add3A_408 : i32 to index
        %get3A_410 = tpu.vector_load %arg10[%get3A_409] {strides = array<i32>} : memref<6400xf32, #tpu.memory_space<vmem>>, vector<16xf32>,
        %get3A_411 = arith.index_cast %add3A_408 : i32 to index
        %get3A_412 = tpu.vector_load %arg15[%get3A_411] {strides = array<i32>} : memref<6400xf32, #tpu.memory_space<vmem>>, vector<16xf32>,
        %mul3A_413 = arith.mulf %get3A_410, %get3A_412 : vector<16xf32>
        %add3A_414 = arith.constant 64 : i32
        %add3A_415 = vector.broadcast %add3A_414 : i32 to vector<16xi32>
        %add3A_416 = arith.addi %add3A_355, %add3A_415 : vector<16xi32>
        %gt3A_417 = arith.cmpf ogt, %mul3A_413, %scan3A_339 : vector<16xf32>
        %select_n3A_418 = arith.select %gt3A_417, %mul3A_413, %scan3A_339 : vector<16xi1>, vector<16xf32>
        %select_n3A_419 = arith.select %gt3A_417, %add3A_416, %scan3A_347 : vector<16xi1>, vector<16xi32>
        %add3A_420 = arith.constant 80 : i32
        %add3A_421 = arith.addi %mul3A_352, %add3A_420 : i32
        %get3A_422 = arith.index_cast %add3A_421 : i32 to index
        %get3A_423 = tpu.vector_load %arg10[%get3A_422] {strides = array<i32>} : memref<6400xf32, #tpu.memory_space<vmem>>, vector<16xf32>,
        %get3A_424 = arith.index_cast %add3A_421 : i32 to index
        %get3A_425 = tpu.vector_load %arg15[%get3A_424] {strides = array<i32>} : memref<6400xf32, #tpu.memory_space<vmem>>, vector<16xf32>,
        %mul3A_426 = arith.mulf %get3A_423, %get3A_425 : vector<16xf32>
        %add3A_427 = arith.constant 80 : i32
        %add3A_428 = vector.broadcast %add3A_427 : i32 to vector<16xi32>
        %add3A_429 = arith.addi %add3A_355, %add3A_428 : vector<16xi32>
        %gt3A_430 = arith.cmpf ogt, %mul3A_426, %scan3A_340 : vector<16xf32>
        %select_n3A_431 = arith.select %gt3A_430, %mul3A_426, %scan3A_340 : vector<16xi1>, vector<16xf32>
        %select_n3A_432 = arith.select %gt3A_430, %add3A_429, %scan3A_348 : vector<16xi1>, vector<16xi32>
        %add3A_433 = arith.constant 96 : i32
        %add3A_434 = arith.addi %mul3A_352, %add3A_433 : i32
        %get3A_435 = arith.index_cast %add3A_434 : i32 to index
        %get3A_436 = tpu.vector_load %arg10[%get3A_435] {strides = array<i32>} : memref<6400xf32, #tpu.memory_space<vmem>>, vector<16xf32>,
        %get3A_437 = arith.index_cast %add3A_434 : i32 to index
        %get3A_438 = tpu.vector_load %arg15[%get3A_437] {strides = array<i32>} : memref<6400xf32, #tpu.memory_space<vmem>>, vector<16xf32>,
        %mul3A_439 = arith.mulf %get3A_436, %get3A_438 : vector<16xf32>
        %add3A_440 = arith.constant 96 : i32
        %add3A_441 = vector.broadcast %add3A_440 : i32 to vector<16xi32>
        %add3A_442 = arith.addi %add3A_355, %add3A_441 : vector<16xi32>
        %gt3A_443 = arith.cmpf ogt, %mul3A_439, %scan3A_341 : vector<16xf32>
        %select_n3A_444 = arith.select %gt3A_443, %mul3A_439, %scan3A_341 : vector<16xi1>, vector<16xf32>
        %select_n3A_445 = arith.select %gt3A_443, %add3A_442, %scan3A_349 : vector<16xi1>, vector<16xi32>
        %add3A_446 = arith.constant 112 : i32
        %add3A_447 = arith.addi %mul3A_352, %add3A_446 : i32
        %get3A_448 = arith.index_cast %add3A_447 : i32 to index
        %get3A_449 = tpu.vector_load %arg10[%get3A_448] {strides = array<i32>} : memref<6400xf32, #tpu.memory_space<vmem>>, vector<16xf32>,
        %get3A_450 = arith.index_cast %add3A_447 : i32 to index
        %get3A_451 = tpu.vector_load %arg15[%get3A_450] {strides = array<i32>} : memref<6400xf32, #tpu.memory_space<vmem>>, vector<16xf32>,
        %mul3A_452 = arith.mulf %get3A_449, %get3A_451 : vector<16xf32>
        %add3A_453 = arith.constant 112 : i32
        %add3A_454 = vector.broadcast %add3A_453 : i32 to vector<16xi32>
        %add3A_455 = arith.addi %add3A_355, %add3A_454 : vector<16xi32>
        %gt3A_456 = arith.cmpf ogt, %mul3A_452, %scan3A_342 : vector<16xf32>
        %select_n3A_457 = arith.select %gt3A_456, %mul3A_452, %scan3A_342 : vector<16xi1>, vector<16xf32>
        %select_n3A_458 = arith.select %gt3A_456, %add3A_455, %scan3A_350 : vector<16xi1>, vector<16xi32>
        scf.yield %select_n3A_366, %select_n3A_379, %select_n3A_392, %select_n3A_405, %select_n3A_418, %select_n3A_431, %select_n3A_444, %select_n3A_457, %select_n3A_367, %select_n3A_380, %select_n3A_393, %select_n3A_406, %select_n3A_419, %select_n3A_432, %select_n3A_445, %select_n3A_458 : vector<16xf32>, vector<16xf32>, vector<16xf32>, vector<16xf32>, vector<16xf32>, vector<16xf32>, vector<16xf32>, vector<16xf32>, vector<16xi32>, vector<16xi32>, vector<16xi32>, vector<16xi32>, vector<16xi32>, vector<16xi32>, vector<16xi32>, vector<16xi32>
      }
      %scan3A_333 = arith.constant 50 : i32
      scf.yield %scan3A_332#0, %scan3A_332#1, %scan3A_332#2, %scan3A_332#3, %scan3A_332#4, %scan3A_332#5, %scan3A_332#6, %scan3A_332#7, %scan3A_332#8, %scan3A_332#9, %scan3A_332#10, %scan3A_332#11, %scan3A_332#12, %scan3A_332#13, %scan3A_332#14, %scan3A_332#15 : vector<16xf32>, vector<16xf32>, vector<16xf32>, vector<16xf32>, vector<16xf32>, vector<16xf32>, vector<16xf32>, vector<16xf32>, vector<16xi32>, vector<16xi32>, vector<16xi32>, vector<16xi32>, vector<16xi32>, vector<16xi32>, vector<16xi32>, vector<16xi32>
    }
    %scan3A_63 = arith.constant 25 : i32
    %gt3A = arith.cmpf ogt, %scan3A_62#1, %scan3A_62#0 : vector<16xf32>
    %eq3A = arith.cmpf oeq, %scan3A_62#1, %scan3A_62#0 : vector<16xf32>
    %lt3A = arith.cmpi slt, %scan3A_62#9, %scan3A_62#8 : vector<16xi32>
    %and3A = arith.andi %eq3A, %lt3A : vector<16xi1>
    %or3A = arith.ori %gt3A, %and3A : vector<16xi1>
    %select_n3A = arith.select %or3A, %scan3A_62#1, %scan3A_62#0 : vector<16xi1>, vector<16xf32>
    %select_n3A_64 = arith.select %or3A, %scan3A_62#9, %scan3A_62#8 : vector<16xi1>, vector<16xi32>
    %gt3A_65 = arith.cmpf ogt, %scan3A_62#2, %select_n3A : vector<16xf32>
    %eq3A_66 = arith.cmpf oeq, %scan3A_62#2, %select_n3A : vector<16xf32>
    %lt3A_67 = arith.cmpi slt, %scan3A_62#10, %select_n3A_64 : vector<16xi32>
    %and3A_68 = arith.andi %eq3A_66, %lt3A_67 : vector<16xi1>
    %or3A_69 = arith.ori %gt3A_65, %and3A_68 : vector<16xi1>
    %select_n3A_70 = arith.select %or3A_69, %scan3A_62#2, %select_n3A : vector<16xi1>, vector<16xf32>
    %select_n3A_71 = arith.select %or3A_69, %scan3A_62#10, %select_n3A_64 : vector<16xi1>, vector<16xi32>
    %gt3A_72 = arith.cmpf ogt, %scan3A_62#3, %select_n3A_70 : vector<16xf32>
    %eq3A_73 = arith.cmpf oeq, %scan3A_62#3, %select_n3A_70 : vector<16xf32>
    %lt3A_74 = arith.cmpi slt, %scan3A_62#11, %select_n3A_71 : vector<16xi32>
    %and3A_75 = arith.andi %eq3A_73, %lt3A_74 : vector<16xi1>
    %or3A_76 = arith.ori %gt3A_72, %and3A_75 : vector<16xi1>
    %select_n3A_77 = arith.select %or3A_76, %scan3A_62#3, %select_n3A_70 : vector<16xi1>, vector<16xf32>
    %select_n3A_78 = arith.select %or3A_76, %scan3A_62#11, %select_n3A_71 : vector<16xi1>, vector<16xi32>
    %gt3A_79 = arith.cmpf ogt, %scan3A_62#4, %select_n3A_77 : vector<16xf32>
    %eq3A_80 = arith.cmpf oeq, %scan3A_62#4, %select_n3A_77 : vector<16xf32>
    %lt3A_81 = arith.cmpi slt, %scan3A_62#12, %select_n3A_78 : vector<16xi32>
    %and3A_82 = arith.andi %eq3A_80, %lt3A_81 : vector<16xi1>
    %or3A_83 = arith.ori %gt3A_79, %and3A_82 : vector<16xi1>
    %select_n3A_84 = arith.select %or3A_83, %scan3A_62#4, %select_n3A_77 : vector<16xi1>, vector<16xf32>
    %select_n3A_85 = arith.select %or3A_83, %scan3A_62#12, %select_n3A_78 : vector<16xi1>, vector<16xi32>
    %gt3A_86 = arith.cmpf ogt, %scan3A_62#5, %select_n3A_84 : vector<16xf32>
    %eq3A_87 = arith.cmpf oeq, %scan3A_62#5, %select_n3A_84 : vector<16xf32>
    %lt3A_88 = arith.cmpi slt, %scan3A_62#13, %select_n3A_85 : vector<16xi32>
    %and3A_89 = arith.andi %eq3A_87, %lt3A_88 : vector<16xi1>
    %or3A_90 = arith.ori %gt3A_86, %and3A_89 : vector<16xi1>
    %select_n3A_91 = arith.select %or3A_90, %scan3A_62#5, %select_n3A_84 : vector<16xi1>, vector<16xf32>
    %select_n3A_92 = arith.select %or3A_90, %scan3A_62#13, %select_n3A_85 : vector<16xi1>, vector<16xi32>
    %gt3A_93 = arith.cmpf ogt, %scan3A_62#6, %select_n3A_91 : vector<16xf32>
    %eq3A_94 = arith.cmpf oeq, %scan3A_62#6, %select_n3A_91 : vector<16xf32>
    %lt3A_95 = arith.cmpi slt, %scan3A_62#14, %select_n3A_92 : vector<16xi32>
    %and3A_96 = arith.andi %eq3A_94, %lt3A_95 : vector<16xi1>
    %or3A_97 = arith.ori %gt3A_93, %and3A_96 : vector<16xi1>
    %select_n3A_98 = arith.select %or3A_97, %scan3A_62#6, %select_n3A_91 : vector<16xi1>, vector<16xf32>
    %select_n3A_99 = arith.select %or3A_97, %scan3A_62#14, %select_n3A_92 : vector<16xi1>, vector<16xi32>
    %gt3A_100 = arith.cmpf ogt, %scan3A_62#7, %select_n3A_98 : vector<16xf32>
    %eq3A_101 = arith.cmpf oeq, %scan3A_62#7, %select_n3A_98 : vector<16xf32>
    %lt3A_102 = arith.cmpi slt, %scan3A_62#15, %select_n3A_99 : vector<16xi32>
    %and3A_103 = arith.andi %eq3A_101, %lt3A_102 : vector<16xi1>
    %or3A_104 = arith.ori %gt3A_100, %and3A_103 : vector<16xi1>
    %select_n3A_105 = arith.select %or3A_104, %scan3A_62#7, %select_n3A_98 : vector<16xi1>, vector<16xf32>
    %select_n3A_106 = arith.select %or3A_104, %scan3A_62#15, %select_n3A_99 : vector<16xi1>, vector<16xi32>
    %reduce_max3A = arith.constant true
    %reduce_max3A_107 = vector.broadcast %reduce_max3A : i1 to vector<16xi1>
    %reduce_max3A_108 = tpu.scan <max>, %select_n3A_105 masked %reduce_max3A_107 : vector<16xf32>, vector<16xi1> -> vector<16xf32>
    %reduce_max3A_109 = vector.extract %reduce_max3A_108[15] : f32 from vector<16xf32>
    %eq3A_110 = vector.broadcast %reduce_max3A_109 : f32 to vector<16xf32>
    %eq3A_111 = arith.cmpf oeq, %select_n3A_105, %eq3A_110 : vector<16xf32>
    %jit3A = arith.constant 2147483647 : i32
    %broadcast_in_dim3A_112 = vector.broadcast %jit3A : i32 to vector<16xi32>
    %select_n3A_113 = arith.select %eq3A_111, %select_n3A_106, %broadcast_in_dim3A_112 : vector<16xi1>, vector<16xi32>
    %reduce_min3A = arith.constant true
    %reduce_min3A_114 = vector.broadcast %reduce_min3A : i1 to vector<16xi1>
    %reduce_min3A_115 = arith.constant -2147483648 : i32
    %reduce_min3A_116 = vector.broadcast %reduce_min3A_115 : i32 to vector<16xi32>
    %reduce_min3A_117 = arith.xori %select_n3A_113, %reduce_min3A_116 : vector<16xi32>
    %reduce_min3A_118 = tpu.scan <min>, %reduce_min3A_117 masked %reduce_min3A_114 : vector<16xi32>, vector<16xi1> -> vector<16xi32>
    %reduce_min3A_119 = arith.xori %reduce_min3A_118, %reduce_min3A_116 : vector<16xi32>
    %reduce_min3A_120 = vector.extract %reduce_min3A_119[15] : i32 from vector<16xi32>
    %broadcast_in_dim3A_121 = vector.broadcast %reduce_max3A_109 : f32 to vector<16xf32>
    %swap3A = arith.constant 0 : index
    %swap3A_122 = tpu.vector_load %arg16[%swap3A] {strides = array<i32>} : memref<16xf32, #tpu.memory_space<vmem>>, vector<16xf32>,
    tpu.vector_store %arg16[%swap3A], %broadcast_in_dim3A_121 {strides = array<i32>} : memref<16xf32, #tpu.memory_space<vmem>>, vector<16xf32>,
    %broadcast_in_dim3A_123 = vector.broadcast %reduce_min3A_120 : i32 to vector<16xi32>
    %swap3A_124 = arith.constant 0 : index
    %swap3A_125 = tpu.vector_load %arg17[%swap3A_124] {strides = array<i32>} : memref<16xi32, #tpu.memory_space<vmem>>, vector<16xi32>,
    tpu.vector_store %arg17[%swap3A_124], %broadcast_in_dim3A_123 {strides = array<i32>} : memref<16xi32, #tpu.memory_space<vmem>>, vector<16xi32>,
    "tpu.region"() ({
      %run_scoped3A = tpu.sem_alloc : memref<!tpu.dma_semaphore, #tpu.memory_space<semaphore_mem>>
      %dma_start3A_126 = arith.constant 0 : i32
      %dma_start3A_127 = tpu.memref_slice %arg4[%add3A, %dma_start3A_126] : memref<32x16xf32, #tpu.memory_space<hbm>> -> memref<1x16xf32, #tpu.memory_space<hbm>>
      %dma_start3A_128 = tpu.memref_squeeze %dma_start3A_127 : memref<1x16xf32, #tpu.memory_space<hbm>> -> memref<16xf32, #tpu.memory_space<hbm>>
      %dma_start3A_129 = arith.constant 0 : i32
      %dma_start3A_130 = tpu.memref_slice %arg4[%add3A, %dma_start3A_129] : memref<32x16xf32, #tpu.memory_space<hbm>> -> memref<1x16xf32, #tpu.memory_space<hbm>>
      %dma_start3A_131 = tpu.memref_squeeze %dma_start3A_130 : memref<1x16xf32, #tpu.memory_space<hbm>> -> memref<16xf32, #tpu.memory_space<hbm>>
      tpu.enqueue_dma source(%arg16 : memref<16xf32, #tpu.memory_space<vmem>>) target(%dma_start3A_131 : memref<16xf32, #tpu.memory_space<hbm>>) target_semaphore(%run_scoped3A : memref<!tpu.dma_semaphore, #tpu.memory_space<semaphore_mem>>)
      %dma_wait3A = arith.constant 0 : i32
      %dma_wait3A_132 = tpu.memref_slice %arg4[%add3A, %dma_wait3A] : memref<32x16xf32, #tpu.memory_space<hbm>> -> memref<1x16xf32, #tpu.memory_space<hbm>>
      %dma_wait3A_133 = tpu.memref_squeeze %dma_wait3A_132 : memref<1x16xf32, #tpu.memory_space<hbm>> -> memref<16xf32, #tpu.memory_space<hbm>>
      %dma_wait3A_134 = arith.constant 0 : i32
      %dma_wait3A_135 = tpu.memref_slice %arg4[%add3A, %dma_wait3A_134] : memref<32x16xf32, #tpu.memory_space<hbm>> -> memref<1x16xf32, #tpu.memory_space<hbm>>
      %dma_wait3A_136 = tpu.memref_squeeze %dma_wait3A_135 : memref<1x16xf32, #tpu.memory_space<hbm>> -> memref<16xf32, #tpu.memory_space<hbm>>
      tpu.wait_dma2 semaphore(%run_scoped3A : memref<!tpu.dma_semaphore, #tpu.memory_space<semaphore_mem>>) src(%arg16 : memref<16xf32, #tpu.memory_space<vmem>>) dst(%dma_wait3A_136 : memref<16xf32, #tpu.memory_space<hbm>>)
      tpu.yield
    }) : () -> ()
    "tpu.region"() ({
      %run_scoped3A = tpu.sem_alloc : memref<!tpu.dma_semaphore, #tpu.memory_space<semaphore_mem>>
      %dma_start3A_126 = arith.constant 0 : i32
      %dma_start3A_127 = tpu.memref_slice %arg5[%add3A, %dma_start3A_126] : memref<32x16xi32, #tpu.memory_space<hbm>> -> memref<1x16xi32, #tpu.memory_space<hbm>>
      %dma_start3A_128 = tpu.memref_squeeze %dma_start3A_127 : memref<1x16xi32, #tpu.memory_space<hbm>> -> memref<16xi32, #tpu.memory_space<hbm>>
      %dma_start3A_129 = arith.constant 0 : i32
      %dma_start3A_130 = tpu.memref_slice %arg5[%add3A, %dma_start3A_129] : memref<32x16xi32, #tpu.memory_space<hbm>> -> memref<1x16xi32, #tpu.memory_space<hbm>>
      %dma_start3A_131 = tpu.memref_squeeze %dma_start3A_130 : memref<1x16xi32, #tpu.memory_space<hbm>> -> memref<16xi32, #tpu.memory_space<hbm>>
      tpu.enqueue_dma source(%arg17 : memref<16xi32, #tpu.memory_space<vmem>>) target(%dma_start3A_131 : memref<16xi32, #tpu.memory_space<hbm>>) target_semaphore(%run_scoped3A : memref<!tpu.dma_semaphore, #tpu.memory_space<semaphore_mem>>)
      %dma_wait3A = arith.constant 0 : i32
      %dma_wait3A_132 = tpu.memref_slice %arg5[%add3A, %dma_wait3A] : memref<32x16xi32, #tpu.memory_space<hbm>> -> memref<1x16xi32, #tpu.memory_space<hbm>>
      %dma_wait3A_133 = tpu.memref_squeeze %dma_wait3A_132 : memref<1x16xi32, #tpu.memory_space<hbm>> -> memref<16xi32, #tpu.memory_space<hbm>>
      %dma_wait3A_134 = arith.constant 0 : i32
      %dma_wait3A_135 = tpu.memref_slice %arg5[%add3A, %dma_wait3A_134] : memref<32x16xi32, #tpu.memory_space<hbm>> -> memref<1x16xi32, #tpu.memory_space<hbm>>
      %dma_wait3A_136 = tpu.memref_squeeze %dma_wait3A_135 : memref<1x16xi32, #tpu.memory_space<hbm>> -> memref<16xi32, #tpu.memory_space<hbm>>
      tpu.wait_dma2 semaphore(%run_scoped3A : memref<!tpu.dma_semaphore, #tpu.memory_space<semaphore_mem>>) src(%arg17 : memref<16xi32, #tpu.memory_space<vmem>>) dst(%dma_wait3A_136 : memref<16xi32, #tpu.memory_space<hbm>>)
      tpu.yield
    }) : () -> ()
    return
  }
}

module attributes {stable_mosaic.version = 14 : i64} {
  func.func @_merge_body(%arg0: memref<25600000xf32, #tpu.memory_space<hbm>>, %arg1: memref<32x16xf32, #tpu.memory_space<vmem>>, %arg2: memref<32x16xi32, #tpu.memory_space<vmem>>, %arg3: memref<1x256xf32, #tpu.memory_space<vmem>>, %arg4: memref<256xf32, #tpu.memory_space<vmem>>, %arg5: memref<!tpu.dma_semaphore, #tpu.memory_space<semaphore_mem>>) attributes {dimension_semantics = [], scalar_prefetch = 0 : i64, scratch_operands = 2 : i64, tpu.core_type = #tpu.core_type<tc>} {
    %get3A = arith.constant 0 : index
    %get3A_0 = arith.constant 0 : index
    %get3A_1 = vector.load %arg1[%get3A, %get3A_0] : memref<32x16xf32, #tpu.memory_space<vmem>>, vector<32x16xf32>
    %get3A_2 = arith.constant 0 : index
    %get3A_3 = arith.constant 0 : index
    %get3A_4 = vector.load %arg2[%get3A_2, %get3A_3] : memref<32x16xi32, #tpu.memory_space<vmem>>, vector<32x16xi32>
    %reduce_max3A = vector.shape_cast %get3A_1 : vector<32x16xf32> to vector<1x32x16xf32>
    %reduce_max3A_5 = arith.constant dense<0xFF800000> : vector<1xf32>
    %reduce_max3A_6 = vector.multi_reduction <maximumf>, %reduce_max3A, %reduce_max3A_5 [1, 2] : vector<1x32x16xf32> to vector<1xf32>
    %reduce_max3A_7 = vector.shape_cast %reduce_max3A_6 : vector<1xf32> to vector<1x1x1xf32>
    %reduce_max3A_8 = vector.extract %reduce_max3A_7[0, 0, 0] : f32 from vector<1x1x1xf32>
    %eq3A = vector.broadcast %reduce_max3A_8 : f32 to vector<32x16xf32>
    %eq3A_9 = arith.cmpf oeq, %get3A_1, %eq3A : vector<32x16xf32>
    %jit3A = arith.constant 2147483647 : i32
    %broadcast_in_dim3A = vector.broadcast %jit3A : i32 to vector<32x16xi32>
    %select_n3A = arith.select %eq3A_9, %get3A_4, %broadcast_in_dim3A : vector<32x16xi1>, vector<32x16xi32>
    %reduce_min3A = vector.shape_cast %select_n3A : vector<32x16xi32> to vector<1x32x16xi32>
    %reduce_min3A_10 = arith.constant dense<2147483647> : vector<1xi32>
    %reduce_min3A_11 = vector.multi_reduction <minsi>, %reduce_min3A, %reduce_min3A_10 [1, 2] : vector<1x32x16xi32> to vector<1xi32>
    %reduce_min3A_12 = vector.shape_cast %reduce_min3A_11 : vector<1xi32> to vector<1x1x1xi32>
    %reduce_min3A_13 = vector.extract %reduce_min3A_12[0, 0, 0] : i32 from vector<1x1x1xi32>
    %jit3A_14 = arith.constant 256 : i32
    %div3A = arith.divsi %reduce_min3A_13, %jit3A_14 : i32
    %sign3A = arith.constant 0 : i32
    %sign3A_15 = arith.cmpi sgt, %reduce_min3A_13, %sign3A : i32
    %sign3A_16 = arith.extui %sign3A_15 : i1 to i32
    %sign3A_17 = arith.constant 0 : i32
    %sign3A_18 = arith.cmpi slt, %reduce_min3A_13, %sign3A_17 : i32
    %sign3A_19 = arith.extui %sign3A_18 : i1 to i32
    %sign3A_20 = arith.subi %sign3A_16, %sign3A_19 : i32
    %sign3A_21 = arith.constant 0 : i32
    %sign3A_22 = arith.cmpi sgt, %jit3A_14, %sign3A_21 : i32
    %sign3A_23 = arith.extui %sign3A_22 : i1 to i32
    %sign3A_24 = arith.constant 0 : i32
    %sign3A_25 = arith.cmpi slt, %jit3A_14, %sign3A_24 : i32
    %sign3A_26 = arith.extui %sign3A_25 : i1 to i32
    %sign3A_27 = arith.subi %sign3A_23, %sign3A_26 : i32
    %ne3A = arith.cmpi ne, %sign3A_20, %sign3A_27 : i32
    %rem3A = arith.remsi %reduce_min3A_13, %jit3A_14 : i32
    %ne3A_28 = arith.constant 0 : i32
    %ne3A_29 = arith.cmpi ne, %rem3A, %ne3A_28 : i32
    %and3A = arith.andi %ne3A, %ne3A_29 : i1
    %sub3A = arith.constant 1 : i32
    %sub3A_30 = arith.subi %div3A, %sub3A : i32
    %select_n3A_31 = arith.select %and3A, %sub3A_30, %div3A : i32
    %add3A = arith.constant 1 : i32
    %add3A_32 = arith.addi %select_n3A_31, %add3A : i32
    %jit3A_33 = arith.constant 100000 : i32
    %eq3A_34 = arith.constant 0 : i32
    %eq3A_35 = arith.cmpi eq, %jit3A_33, %eq3A_34 : i32
    %jit3A_36 = arith.constant 1 : i32
    %select_n3A_37 = arith.select %eq3A_35, %jit3A_36, %jit3A_33 : i32
    %rem3A_38 = arith.remsi %add3A_32, %select_n3A_37 : i32
    %ne3A_39 = arith.constant 0 : i32
    %ne3A_40 = arith.cmpi ne, %rem3A_38, %ne3A_39 : i32
    %lt3A = arith.constant 0 : i32
    %lt3A_41 = arith.cmpi slt, %rem3A_38, %lt3A : i32
    %lt3A_42 = arith.constant 0 : i32
    %lt3A_43 = arith.cmpi slt, %select_n3A_37, %lt3A_42 : i32
    %ne3A_44 = arith.xori %lt3A_41, %lt3A_43 : i1
    %and3A_45 = arith.andi %ne3A_44, %ne3A_40 : i1
    %add3A_46 = arith.addi %rem3A_38, %select_n3A_37 : i32
    %select_n3A_47 = arith.select %and3A_45, %add3A_46, %rem3A_38 : i32
    %mul3A = arith.constant 256 : i32
    %mul3A_48 = arith.muli %select_n3A_47, %mul3A : i32
    %dma_start3A = tpu.memref_slice %arg0[%mul3A_48] : memref<25600000xf32, #tpu.memory_space<hbm>> -> memref<256xf32, #tpu.memory_space<hbm>>
    tpu.enqueue_dma source(%dma_start3A : memref<256xf32, #tpu.memory_space<hbm>>) target(%arg4 : memref<256xf32, #tpu.memory_space<vmem>>) target_semaphore(%arg5 : memref<!tpu.dma_semaphore, #tpu.memory_space<semaphore_mem>>)
    %dma_wait3A = tpu.memref_slice %arg0[%mul3A_48] : memref<25600000xf32, #tpu.memory_space<hbm>> -> memref<256xf32, #tpu.memory_space<hbm>>
    tpu.wait_dma2 semaphore(%arg5 : memref<!tpu.dma_semaphore, #tpu.memory_space<semaphore_mem>>) src(%dma_wait3A : memref<256xf32, #tpu.memory_space<hbm>>) dst(%arg4 : memref<256xf32, #tpu.memory_space<vmem>>)
    %get3A_49 = arith.constant 0 : index
    %get3A_50 = vector.load %arg4[%get3A_49] : memref<256xf32, #tpu.memory_space<vmem>>, vector<256xf32>
    %reshape3A = vector.shape_cast %get3A_50 : vector<256xf32> to vector<1x256xf32>
    %iota3A = tpu.iota {dimensions = array<i32: 1>} : vector<1x256xi32>
    %reduce_max3A_51 = vector.shape_cast %reshape3A : vector<1x256xf32> to vector<1x1x256xf32>
    %reduce_max3A_52 = arith.constant dense<0xFF800000> : vector<1xf32>
    %reduce_max3A_53 = vector.multi_reduction <maximumf>, %reduce_max3A_51, %reduce_max3A_52 [1, 2] : vector<1x1x256xf32> to vector<1xf32>
    %reduce_max3A_54 = vector.shape_cast %reduce_max3A_53 : vector<1xf32> to vector<1x1x1xf32>
    %reduce_max3A_55 = vector.extract %reduce_max3A_54[0, 0, 0] : f32 from vector<1x1x1xf32>
    %eq3A_56 = vector.broadcast %reduce_max3A_55 : f32 to vector<1x256xf32>
    %eq3A_57 = arith.cmpf oeq, %reshape3A, %eq3A_56 : vector<1x256xf32>
    %jit3A_58 = arith.constant 2147483647 : i32
    %broadcast_in_dim3A_59 = vector.broadcast %jit3A_58 : i32 to vector<1x256xi32>
    %select_n3A_60 = arith.select %eq3A_57, %iota3A, %broadcast_in_dim3A_59 : vector<1x256xi1>, vector<1x256xi32>
    %reduce_min3A_61 = vector.shape_cast %select_n3A_60 : vector<1x256xi32> to vector<1x1x256xi32>
    %reduce_min3A_62 = arith.constant dense<2147483647> : vector<1xi32>
    %reduce_min3A_63 = vector.multi_reduction <minsi>, %reduce_min3A_61, %reduce_min3A_62 [1, 2] : vector<1x1x256xi32> to vector<1xi32>
    %reduce_min3A_64 = vector.shape_cast %reduce_min3A_63 : vector<1xi32> to vector<1x1x1xi32>
    %reduce_min3A_65 = vector.extract %reduce_min3A_64[0, 0, 0] : i32 from vector<1x1x1xi32>
    %add3A_66 = arith.constant 1 : i32
    %add3A_67 = arith.addi %reduce_min3A_65, %add3A_66 : i32
    %jit3A_68 = arith.constant 256 : i32
    %eq3A_69 = arith.constant 0 : i32
    %eq3A_70 = arith.cmpi eq, %jit3A_68, %eq3A_69 : i32
    %jit3A_71 = arith.constant 1 : i32
    %select_n3A_72 = arith.select %eq3A_70, %jit3A_71, %jit3A_68 : i32
    %rem3A_73 = arith.remsi %add3A_67, %select_n3A_72 : i32
    %ne3A_74 = arith.constant 0 : i32
    %ne3A_75 = arith.cmpi ne, %rem3A_73, %ne3A_74 : i32
    %lt3A_76 = arith.constant 0 : i32
    %lt3A_77 = arith.cmpi slt, %rem3A_73, %lt3A_76 : i32
    %lt3A_78 = arith.constant 0 : i32
    %lt3A_79 = arith.cmpi slt, %select_n3A_72, %lt3A_78 : i32
    %ne3A_80 = arith.xori %lt3A_77, %lt3A_79 : i1
    %and3A_81 = arith.andi %ne3A_80, %ne3A_75 : i1
    %add3A_82 = arith.addi %rem3A_73, %select_n3A_72 : i32
    %select_n3A_83 = arith.select %and3A_81, %add3A_82, %rem3A_73 : i32
    %eq3A_84 = vector.broadcast %select_n3A_83 : i32 to vector<1x256xi32>
    %eq3A_85 = arith.cmpi eq, %iota3A, %eq3A_84 : vector<1x256xi32>
    %convert_element_type3A = arith.extui %eq3A_85 : vector<1x256xi1> to vector<1x256xi32>
    %convert_element_type3A_86 = arith.sitofp %convert_element_type3A : vector<1x256xi32> to vector<1x256xf32>
    %swap3A = arith.constant 0 : index
    %swap3A_87 = arith.constant 0 : index
    %swap3A_88 = vector.load %arg3[%swap3A, %swap3A_87] : memref<1x256xf32, #tpu.memory_space<vmem>>, vector<1x256xf32>
    tpu.vector_store %arg3[%swap3A, %swap3A_87], %convert_element_type3A_86 {strides = array<i32>} : memref<1x256xf32, #tpu.memory_space<vmem>>, vector<1x256xf32>,
    return
  }
}

</mosaic_0001>

<sc_bundles>
// kernel: kernel.4.cloned.1.call-start
scs
__scs_entry_jumppad:
0x0: {  	(pc) =	sbr.rel $0x88, $3  }
0x1: {  	(tag) =	ssettag $0x0;
	lr =	simm.s32 $0x1  }
0x2: {  	[smem:$0x3F9F] =	sst lr;
	_ =	strace $0xD0000000  }
0x3: {  	_ = 	snop  }
0x4: {  	_ = 	snop  }
0x5: {  	_ = 	snop  }
0x6: {  	_ = 	snop  }
0x7: {  	_ = 	snop  }
__scs_overlays_trampoline_lowered:
0x8: {  	[smem:$0x3FAE] =	sst s0  }
0x9: {  	[smem:$0x3FAF] =	sst s1  }
0xa: {  	[smem:$0x3FB0] =	sst s2  }
0xb: {  	[smem:$0x3FB1] =	sst s3  }
0xc: {  	[smem:$0x3FB2] =	sst s4  }
0xd: {  	[smem:$0x3FB3] =	sst s5  }
0xe: {  	[smem:$0x3FB4] =	sst s6  }
0xf: {  	[smem:$0x3FB5] =	sst s7  }
0x10: {  	[smem:$0x3FB6] =	sst s8  }
0x11: {  	[smem:$0x3FB7] =	sst s9;
	s0 =	simm.s32 @!p0 $0x0  }
0x12: {  	s1 =	sld [smem:$0x3F9D];
	s0 =	simm.s32 @p0 $0x1  }
0x13: {  	[smem:$0x3FB8] =	sst s0;
	s0 =	simm.s32 @!p1 $0x0  }
0x14: {  	s2 =	sld [smem:$0x3F9C];
	s0 =	simm.s32 @p1 $0x1  }
0x15: {  	[smem:$0x3FB9] =	sst s0;
	s0 =	simm.s32 @!p2 $0x0  }
0x16: {  	s3 =	sld [smem:$0x3FDB];
	s0 =	simm.s32 @p2 $0x1  }
0x17: {  	s4 =	simm.s32 $0x1BF5;
	[smem:$0x3FBB] =	sst s0  }
0x18: {  	s0 =	sld [smem:$0x3F9E];
	_ =	swait.ge [sflag:s4], $0x0  }
0x19: {  	s7 =	sld [smem:$0x3F9F]  }
0x1a: {  	s8 =	sadd.s32 $0xFFFFE003, lr  }
0x1b: {  	s9 =	sadd.s32 $0xFFFFFEF7, lr;
	s5 =	simm.s32 $0xFFFFFFFF;
	p2 =	slt.u32 s8, $0xFFFFF086  }
0x1c: {  	p1 =	slt.u32 s9, $0xF7A;
	s5 =	simm.s32 @!p2 $0x0  }
0x1d: {  	s5 =	simm.s32 @p1 $0x1;
	p0 =	seq.s32 s7, s2  }
0x1e: {  	s7 =	smul.u32 @!p0 $0xF7A, s2;
	p2 =	seq.s32 @!p0 s5, $0x0  }
0x1f: {  	s9 =	smul.u32 $0xF7A, s1;
	s8 =	simm.s32 @!p0 $0x1BF5;
	p2 =	por !p2, p0  }
0x20: {  	[sflag:s8] =	ssyncset.s32 @!p0 $0xFFFFF086;
	s6 =	sadd.s32 @!p0 s3, s7;
	s7 =	simm.s32 @!p0 $0x108  }
0x21: {  	s3 =	sadd.s32 s3, s9;
	s6 =	sadd.s32 @!p0 $0x88, s6;
	s7 =	simm.s32 @p2 $0x1082  }
0x22: {  	[simem:s7], [sflag:s8] =	dma.local @!p0 [hbm:s6], $0xF7A  }
0x23: {  	s9 =	sor.u32 $0xD0000000, s2;
	s6 =	simm.s32 $0x108;
	_ =	swait.ge @!p0 [sflag:s8], $0x0  }
0x24: {  	s3 =	sadd.s32 $0x88, s3;
	s6 =	simm.s32 @!p1 $0x1082;
	[sflag:s4] =	ssyncset.s32 $0xFFFFF086  }
0x25: {  	[simem:s6], [sflag:s4] =	dma.local [hbm:s3], $0xF7A  }
0x26: {  	[smem:$0x3F9F] =	sst s1;
	(tag) =	ssettag s2;
	_ =	strace s9  }
0x27: {  	s1 =	sld [smem:$0x3FAF]  }
0x28: {  	s2 =	sld [smem:$0x3FB0]  }
0x29: {  	s4 =	sld [smem:$0x3FB2]  }
0x2a: {  	p0 =	seq.s32 s5, $0x0;
	s5 =	sld [smem:$0x3FB3]  }
0x2b: {  	s6 =	sld [smem:$0x3FB4]  }
0x2c: {  	s7 =	sld [smem:$0x3FB5]  }
0x2d: {  	s3 =	simm.s32 $0x108;
	s8 =	sld [smem:$0x3FB6]  }
0x2e: {  	s3 =	simm.s32 @!p0 $0x1082;
	s9 =	sld [smem:$0x3FB7]  }
0x2f: {  	lr =	sadd.s32 s0, s3;
	s0 =	sld [smem:$0x3FAE]  }
0x30: {  	s3 =	sld [smem:$0x3FB1]  }
0x31: {  	[smem:$0x3FBA] =	sst s10  }
0x32: {  	s10 =	sld [smem:$0x3FB8];
	_ =	sdelay $0x3  }
0x33: {  	p0 =	seq.s32 s10, $0x1;
	s10 =	sld [smem:$0x3FBA];
	_ =	sdelay $0x3  }
0x34: {  	[smem:$0x3FBA] =	sst s10  }
0x35: {  	s10 =	sld [smem:$0x3FB9];
	_ =	sdelay $0x3  }
0x36: {  	p1 =	seq.s32 s10, $0x1;
	s10 =	sld [smem:$0x3FBA];
	_ =	sdelay $0x3  }
0x37: {  	[smem:$0x3FBA] =	sst s10  }
0x38: {  	s10 =	sld [smem:$0x3FBB]  }
0x39: {  	_ = 	snop;
	(pc) =	sbr.ind lr, $3  }
0x3a: {  	_ = 	snop  }
0x3b: {  	_ = 	snop  }
0x3c: {  	p2 =	seq.s32 s10, $0x1;
	s10 =	sld [smem:$0x3FBA]  }
0x3d: {  	_ =	shalt  }
0x3e: {  	_ =	shalt  }
0x3f: {  	_ =	shalt  }
0x40: {  	_ =	shalt  }
0x41: {  	_ =	shalt  }
0x42: {  	_ =	shalt  }
0x43: {  	_ =	shalt  }
0x44: {  	_ =	shalt  }
0x45: {  	_ =	shalt  }
0x46: {  	_ =	shalt  }
0x47: {  	_ =	shalt  }
0x48: {  	_ =	shalt  }
0x49: {  	_ =	shalt  }
0x4a: {  	_ =	shalt  }
0x4b: {  	_ =	shalt  }
0x4c: {  	_ =	shalt  }
0x4d: {  	_ =	shalt  }
0x4e: {  	_ =	shalt  }
0x4f: {  	_ =	shalt  }
0x50: {  	_ =	shalt  }
0x51: {  	_ =	shalt  }
0x52: {  	_ =	shalt  }
0x53: {  	_ =	shalt  }
0x54: {  	_ =	shalt  }
0x55: {  	_ =	shalt  }
0x56: {  	_ =	shalt  }
0x57: {  	_ =	shalt  }
0x58: {  	_ =	shalt  }
0x59: {  	_ =	shalt  }
0x5a: {  	_ =	shalt  }
0x5b: {  	_ =	shalt  }
0x5c: {  	_ =	shalt  }
0x5d: {  	_ =	shalt  }
0x5e: {  	_ =	shalt  }
0x5f: {  	_ =	shalt  }
0x60: {  	_ =	shalt  }
0x61: {  	_ =	shalt  }
0x62: {  	_ =	shalt  }
0x63: {  	_ =	shalt  }
0x64: {  	_ =	shalt  }
0x65: {  	_ =	shalt  }
0x66: {  	_ =	shalt  }
0x67: {  	_ =	shalt  }
0x68: {  	_ =	shalt  }
0x69: {  	_ =	shalt  }
0x6a: {  	_ =	shalt  }
0x6b: {  	_ =	shalt  }
0x6c: {  	_ =	shalt  }
0x6d: {  	_ =	shalt  }
0x6e: {  	_ =	shalt  }
0x6f: {  	_ =	shalt  }
0x70: {  	_ =	shalt  }
0x71: {  	_ =	shalt  }
0x72: {  	_ =	shalt  }
0x73: {  	_ =	shalt  }
0x74: {  	_ =	shalt  }
0x75: {  	_ =	shalt  }
0x76: {  	_ =	shalt  }
0x77: {  	_ =	shalt  }
0x78: {  	_ =	shalt  }
0x79: {  	_ =	shalt  }
0x7a: {  	_ =	shalt  }
0x7b: {  	_ =	shalt  }
0x7c: {  	_ =	shalt  }
0x7d: {  	_ =	shalt  }
0x7e: {  	_ =	shalt  }
0x7f: {  	_ =	shalt  }
0x80: {  	_ =	shalt  }
0x81: {  	_ =	shalt  }
0x82: {  	_ =	shalt  }
0x83: {  	_ =	shalt  }
0x84: {  	_ =	shalt  }
0x85: {  	_ =	shalt  }
0x86: {  	_ =	shalt  }
0x87: {  	_ =	shalt  }
.Lfunc_end0:
.L_simem_size_0:
called_computation_lowered:
.L_overlay_start_0:
0x88: {  	s2 =	sld [smem:$0x3FD9]  }
0x89: {  	s3 =	sld [smem:$0x3FFE];
	_ =	sdelay $0x1  }
0x8a: {  	s1 =	srdreg.scid  }
0x8b: {  	s0 =	sand.u32 $0x1, s1  }
0x8c: {  	s17 =	sshll.u32 s0, $0xA;
	s2 =	sadd.s32 s3, s2  }
0x8d: {  	s2 =	sadd.s32 s2, s17  }
0x8e: {  	[smem:$0x3FC6] =	sst s2  }
0x8f: {  	_ = 	snop  }
0x90: {  	s2 =	sld [smem:$0x3FC9]  }
0x91: {  	s18 =	sld [smem:$0x3FC8];
	(tm) =	ssettm $0x1  }
0x92: {  	s4 =	sld [smem:$0x3FFB];
	_ =	sdelay $0x3  }
0x93: {  	_ =	strace s4  }
0x94: {  	s4 =	sld [smem:$0x3FFC];
	_ =	sdelay $0x3  }
0x95: {  	_ =	strace s4  }
0x96: {  	s4 =	sld [smem:$0x3FFD];
	_ =	sdelay $0x3  }
0x97: {  	_ =	strace s4  }
0x98: {  	_ =	strace $0x8FFFFFFF  }
0x99: {  	s19 =	sld [smem:$0x3FDB];
	_ =	sdelay $0x1  }
0x9a: {  	s5 =	simm.s32 $_scs_section_size  }
0x9b: {  	s6 =	simm.s32 $_size__tile_overlayer_lowered;
	s7 =	simm.s32 $_tile_overlayer_lowered  }
0x9c: {  	s22 =	simm.s32 $0x1BFF;
	s21 =	sshll.u32 s7, $0x1;
	s4 =	sadd.s32 s5, s19  }
0x9d: {  	s8 =	simm.s32 $0x0;
	s20 =	sshll.u32 s6, $0x1;
	s6 =	sadd.s32 s21, s4  }
0x9e: {  	[timem:s8], [sflag:s22] =	dma.local [hbm:s6], s20  }
0x9f: {  	_ =	swait.ge [sflag:s22], s20  }
0xa0: {  	s5 =	ssub.s32 $0x0, s20;
	[sflag:s22] =	ssyncset.done $0x0  }
0xa1: {  	[sflag:s22] =	ssyncadd.s32 s5;
	_ =	sdelay $0x1  }
0xa2: {  	s23 =	simm.s32 $0x1B8B  }
0xa3: {  	_ =	swait.ge [sflag:s23], $0x1  }
0xa4: {  	[sflag:s23] =	ssyncset.done $0x0  }
0xa5: {  	s25 =	simm.s32 $0x1B8E;
	s24 =	sld [smem:$0x3FFE];
	[sflag:s23] =	ssyncadd.s32 $0xFFFFFFFF  }
0xa6: {  	s26 =	simm.s32 $execute0_lowered;
	[smem:$0x3FD2] =	sst s25  }
0xa7: {  	s6 =	sshll.u32 s26, $0x1;
	_ =	strace $0x80000046;
	[dreg:$0x1] =	wrdreg $0xFFFFFFFF  }
0xa8: {  	s28 =	simm.s32 $_size_execute0_lowered;
	s4 =	sadd.s32 s4, s6;
	[dreg:$0x0] =	wrdreg $0x0  }
0xa9: {  	s6 =	sshll.u32 s28, $0x1;
	[dreg:$0x2] =	wrdreg s4  }
0xaa: {  	[dreg:$0x3] =	wrdreg s6  }
0xab: {  	[dreg:$0x4] =	wrdreg $0xC0  }
0xac: {  	_ =	task [dreg:s8], $0x5FFFF  }
0xad: {  	[dreg:$0x1] =	wrdreg $0xFFFFFFFF  }
0xae: {  	[dreg:$0x0] =	wrdreg $0x60  }
0xaf: {  	[dreg:$0x2] =	wrdreg s2  }
0xb0: {  	[dreg:$0x3] =	wrdreg s18  }
0xb1: {  	[dreg:$0x4] =	wrdreg s24  }
0xb2: {  	[dreg:$0x5] =	wrdreg $0x9  }
0xb3: {  	_ =	task.clear_ibuf [dreg:s8], $0x6FFFF;
	_ =	strace $0x90000046  }
0xb4: {  	s29 =	simm.s32 $0x9;
	_ =	strace $0x80000048  }
0xb5: {  	_ =	swait.ge [sflag:s29], $0x1  }
0xb6: {  	[sflag:s29] =	ssyncadd.s32 $0xFFFFFFFF  }
0xb7: {  	_ =	strace $0x90000048  }
0xb8: {  	_ =	sfence  }
0xb9: {  	s30 =	sld [smem:$0x0];
	_ =	sdelay $0x2  }
0xba: {  	s31 =	sshll.u32 s1, $0xD;
	s1 =	sshrl.u32 s1, $0x2  }
0xbb: {  	s3 =	sand.u32 $0x4000, s31;
	s1 =	sadd.s32 s1, s30  }
0xbc: {  	s0 =	sor.u32 s3, s0;
	s1 =	sshll.u32 s1, $0x11  }
0xbd: {  	s0 =	sor.u32 s1, s0  }
0xbe: {  	s0 =	sadd.s32 $0x8F2B, s0  }
0xbf: {  	[sflag:s0] =	ssyncadd.remote.s32 $0x1  }
0xc0: {  	_ =	sfence.sel $0xFFFF  }
0xc1: {  	[dreg:$0x0] =	wrdreg $0xFFFFFFFF;
	(pc) =	sbr.abs _section_cstart, $3  }
0xc2: {  	[dreg:$0x1] =	wrdreg $0xFFFFFFFF  }
0xc3: {  	_ =	task.clear_ibuf [dreg:s8], $0x2FFFF;
	_ =	strace $0x9FFFFFFF  }
0xc4: {  	(tm) =	ssettm $0x7FFFFFFF  }
0xc5: {  	_ =	shalt  }
tec
execute0_lowered:
.L_overlay_start_1:
0x0: {  	(tag) =	ssettag $0x1  }
0x1: {  	s0 =	rddreg [dreg:$0x0]  }
0x2: {  	s1 =	srdreg.scid;
	s3 =	rddreg [dreg:$0x1]  }
0x3: {  	s2 =	rddreg [dreg:$0x2];
	s10 =	stileid.u32  }
0x4: {  	s12 =	simm.s32 $0x0;
	s28 =	simm.s32 $0xE100;
	s29 =	simm.s32 $0x1  }
0x5: {  	s30 =	simm.s32 $0x6;
	s31 =	simm.s32 $0x2;
	s11 =	simm.s32 $0xA  }
0x6: {  	s1 =	sand.u32 $0x1, s1;
	[smem:$0x7FF] =	sst s12;
	s6 =	sshll.u32 s10, $0x4  }
0x7: {  	s22 =	smul.u32 $0x1900, s10;
	s4 =	sshll.u32 s1, $0x4;
	_ =	strace $0x80000047  }
0x8: {  	s7 =	ssub.s32 $0x2, s1;
	s1 =	smul.u32 $0x19000, s1;
	s4 =	sor.u32 s10, s4  }
0x9: {  	s6 =	sand.u32 $0x70, s6;
	s13 =	sshrl.u32 s7, $0x1;
	s8 =	smul.u32 $0x1900, s4  }
0xa: {  	s10 =	simm.s32 $0x5;
	s5 =	sshll.u32 s4, $0x4;
	s9 =	smul.u32 $0x320, s4  }
0xb: {  	s14 =	ssub.s32 s7, s13;
	s1 =	sadd.s32 s22, s1;
	s5 =	sand.u32 $0x180, s5  }
0xc: {  	[dreg:$0xf] =	wrdreg s1;
	s25 =	smax.u32 s14, $0x1;
	s1 =	simm.s32 $0x7  }
0xd: {  	s5 =	sor.u32 s6, s5;
	s16 =	sadd.s32 s0, s9;
	[dreg:$0x12] =	wrdreg s25  }
0xe: {  	s15 =	sadd.s32 $0x32000, s8;
	s17 =	sadd.s32 $0x64000, s8;
	[dreg:$0x5] =	wrdreg s16  }
0xf: {  	s9 =	sadd.s32 s3, s9;
	s20 =	sadd.s32 $0x96000, s8;
	[dreg:$0x4] =	wrdreg s15  }
0x10: {  	s26 =	sadd.s32 $0xC8000, s8;
	s8 =	simm.s32 $0x4;
	[dreg:$0x7] =	wrdreg s9  }
0x11: {  	s2 =	sadd.s32 s5, s2;
	s6 =	sshrl.u32 s15, $0x3;
	[dreg:$0x6] =	wrdreg s17  }
0x12: {  	s7 =	sshrl.u32 s17, $0x3;
	[dreg:$0xb] =	wrdreg s20;
	s16 =	sor.u32 $0x80, s4  }
0x13: {  	s17 =	sor.u32 $0xA0, s4;
	[dreg:$0x13] =	wrdreg s26;
	s18 =	sadd.s32 s0, s6  }
0x14: {  	s26 =	simm.s32 $0x6400;
	s6 =	sadd.s32 s3, s6;
	[dreg:$0x8] =	wrdreg s18  }
0x15: {  	s9 =	simm.s32 $0x9;
	s19 =	sadd.s32 s0, s7;
	[dreg:$0x9] =	wrdreg s6  }
0x16: {  	s7 =	sadd.s32 s3, s7;
	s23 =	sadd.s32 $0xC00, s2;
	[dreg:$0xa] =	wrdreg s19  }
0x17: {  	s24 =	sadd.s32 $0xE00, s2;
	s2 =	simm.s32 $0x3;
	[dreg:$0xc] =	wrdreg s7  }
0x18: {  	v0 =	vlaneseq.u32;
	s6 =	sshrl.u32 s20, $0x3;
	s18 =	sor.u32 $0xC0, s4;
	[dreg:$0x10] =	wrdreg s23  }
0x19: {  	v1 =	vor.u32 $0x10, v0;
	s19 =	sor.u32 $0xE0, s4;
	[dreg:$0x11] =	wrdreg s24;
	s21 =	sadd.s32 s0, s6  }
0x1a: {  	v2 =	vor.u32 $0x20, v0;
	v3 =	vor.u32 $0x30, v0;
	v4 =	vor.u32 $0x40, v0;
	s20 =	sor.u32 $0x100, s4;
	s6 =	sadd.s32 s3, s6;
	[dreg:$0xd] =	wrdreg s21  }
0x1b: {  	v5 =	vor.u32 $0x50, v0;
	v6 =	vor.u32 $0x60, v0;
	v7 =	vor.u32 $0x70, v0;
	s7 =	simm.s32 $0x0;
	[dreg:$0xe] =	wrdreg s6;
	s6 =	simm.s32 $0x8  }
.LBB2_1:
0x1c: {  	[dreg:$0x14] =	wrdreg s7  }
0x1d: {  	s4 =	rddreg [dreg:$0x5]  }
0x1e: {  	s23 =	rddreg [dreg:$0x7]  }
0x1f: {  	s24 =	rddreg [dreg:$0x8]  }
0x20: {  	s13 =	rddreg [dreg:$0xa]  }
0x21: {  	[tilespmem:s12], [sflag:$0x1] =	stream.linear.gather [hbm4b:s4+s12], $0x1900, $0x38;
	[tilespmem:$0xFB00] =	vst v63  }
0x22: {  	s5 =	simm.s32 $0x7D00;
	s15 =	rddreg [dreg:$0xc]  }
0x23: {  	[tilespmem:s5], [sflag:$0x6] =	stream.linear.gather [hbm4b:s23+s12], $0x1900, $0x38;
	[tilespmem:$0xFB00] =	vst v63  }
0x24: {  	s25 =	simm.s32 $0x1900;
	s22 =	rddreg [dreg:$0xd]  }
0x25: {  	[tilespmem:s25], [sflag:$0x2] =	stream.linear.gather [hbm4b:s24+s12], $0x1900, $0x38;
	[tilespmem:$0xFB00] =	vst v63  }
0x26: {  	s7 =	simm.s32 $0x9600;
	s5 =	rddreg [dreg:$0x9]  }
0x27: {  	[tilespmem:s7], [sflag:$0x7] =	stream.linear.gather [hbm4b:s5+s12], $0x1900, $0x38;
	[tilespmem:$0xFB00] =	vst v63  }
0x28: {  	s14 =	simm.s32 $0x3200;
	s24 =	rddreg [dreg:$0xe]  }
0x29: {  	[tilespmem:s14], [sflag:$0x3] =	stream.linear.gather [hbm4b:s13+s12], $0x1900, $0x38;
	[tilespmem:$0xFB00] =	vst v63  }
0x2a: {  	s21 =	simm.s32 $0xAF00;
	s7 =	rddreg [dreg:$0x6]  }
0x2b: {  	[tilespmem:s21], [sflag:$0x8] =	stream.linear.gather [hbm4b:s15+s12], $0x1900, $0x38;
	[tilespmem:$0xFB00] =	vst v63  }
0x2c: {  	v12 =	vimm.f32 $-Inf;
	s23 =	simm.s32 $0x4B00;
	s5 =	rddreg [dreg:$0x4]  }
0x2d: {  	v11 =	vimm.s32 $0x0;
	v8 =	vimm.s32 $0x0;
	v9 =	vimm.s32 $0x0;
	[tilespmem:s23], [sflag:$0x4] =	stream.linear.gather [hbm4b:s22+s12], $0x1900, $0x38;
	[tilespmem:$0xFB00] =	vst v63  }
0x2e: {  	v14 =	vimm.s32 $0x0;
	v15 =	vimm.s32 $0x0;
	v18 =	vimm.s32 $0x0;
	s25 =	simm.s32 $0xC800;
	s13 =	rddreg [dreg:$0xf]  }
0x2f: {  	v19 =	vimm.s32 $0x0;
	v20 =	vimm.s32 $0x0;
	v10 =	vimm.f32 $-Inf;
	[tilespmem:s25], [sflag:$0x9] =	stream.linear.gather [hbm4b:s24+s12], $0x1900, $0x38;
	[tilespmem:$0xFB00] =	vst v63  }
0x30: {  	v13 =	vimm.f32 $-Inf;
	v16 =	vimm.f32 $-Inf;
	v17 =	vimm.f32 $-Inf;
	s25 =	rddreg [dreg:$0x13]  }
0x31: {  	v22 =	vimm.f32 $-Inf;
	v21 =	vimm.f32 $-Inf;
	v23 =	vimm.f32 $-Inf;
	s15 =	simm.s32 $0x0;
	s12 =	rddreg [dreg:$0xb]  }
.LBB2_2:
0x32: {  	s24 =	smul.u32 $0xA0, s15;
	_ =	sdelay $0x1  }
0x33: {  	s4 =	sadd.s32 s16, s24  }
0x34: {  	s4 =	smul.u32 $0x320, s4;
	_ =	sdelay $0x1  }
0x35: {  	s21 =	simm.s32 $0x0;
	s14 =	sadd.s32 s0, s4  }
0x36: {  	[tilespmem:s26], [sflag:$0x5] =	stream.linear.gather [hbm4b:s14+s21], $0x1900, $0x38;
	[tilespmem:$0xFB00] =	vst v63  }
0x37: {  	s4 =	sadd.s32 s3, s4  }
0x38: {  	[tilespmem:s28], [sflag:$0xA] =	stream.linear.gather [hbm4b:s4+s21], $0x1900, $0x38;
	[tilespmem:$0xFB00] =	vst v63  }
0x39: {  	_ =	swait.ge [sflag:s29], $0x1900  }
0x3a: {  	[sflag:s29] =	ssyncset.done $0x0  }
0x3b: {  	[sflag:s29] =	ssyncadd.s32 $0xFFFFE700  }
0x3c: {  	_ =	swait.ge [sflag:s30], $0x1900  }
0x3d: {  	[sflag:s30] =	ssyncset.done $0x0  }
0x3e: {  	s23 =	simm.s32 $0x0;
	[sflag:s30] =	ssyncadd.s32 $0xFFFFE700  }
0x3f: {  	v24 =	vld [tilespmem:s23+$0x7D70]  }
0x40: {  	v25 =	vld [tilespmem:s23+$0x70]  }
0x41: {  	v27 =	vld [tilespmem:s23+$0x7D60]  }
0x42: {  	v26 =	vld [tilespmem:s23+$0x7D50]  }
0x43: {  	v28 =	vld [tilespmem:s23+$0x7D30]  }
0x44: {  	v29 =	vld [tilespmem:s23+$0x30]  }
0x45: {  	v30 =	vld [tilespmem:s23+$0x7D10]  }
0x46: {  	v33 =	vld [tilespmem:s23+$0x10]  }
0x47: {  	v31 =	vld [tilespmem:s23+$0x7D40]  }
0x48: {  	v32 =	vld [tilespmem:s23+$0x7D00]  }
0x49: {  	v34 =	vld [tilespmem:s23+$0x7D20];
	v24 =	vmul.f32 v24, v25  }
0x4a: {  	v36 =	vld [tilespmem:s23+$0x20];
	v25 =	vor.u32 s13, v7  }
0x4b: {  	v35 =	vld [tilespmem:s23+$0x40];
	v37 =	vmul.f32 v28, v29;
	v30 =	vmul.f32 v30, v33;
	vm0 =	vgt.f32 v24, v12  }
0x4c: {  	v28 =	vor.u32 s13, v6;
	v29 =	vor.u32 s13, v1;
	v33 =	vld [tilespmem:s23+$0x50];
	v24 =	vsel vm0, v24, v12  }
0x4d: {  	s22 =	smov.u32 s13;
	s4 =	simm.s32 $0x200;
	s21 =	smov.u32 s13;
	v25 =	vsel vm0, v25, v11;
	v12 =	vld [tilespmem:s23+$0x0];
	v11 =	vor.u32 s13, v3;
	vm0 =	vgt.f32 v37, v17  }
.LBB2_3:
0x4e: {  	s14 =	smov.u32 s4  }
0x4f: {  	v38 =	vor.u32 s21, v0;
	v17 =	vsel vm0, v37, v17;
	v15 =	vsel vm0, v11, v15;
	v11 =	vld [tilespmem:s23+$0x60];
	s23 =	sshra.s32 s4, $0x2;
	s22 =	sadd.s32 $0x80, s22;
	s14 =	sadd.s32 $0x200, s4  }
0x50: {  	p0 =	sne.s32 s4, $0x6200;
	v39 =	vor.u32 s21, v5;
	v34 =	vmul.f32 v34, v36;
	v36 =	vor.u32 s21, v4;
	v37 =	vld [tilespmem:s23+$0x7D70]  }
0x51: {  	v42 =	vor.u32 s21, v2;
	v41 =	vor.u32 s22, v7;
	s21 =	smov.u32 s22;
	v31 =	vmul.f32 v31, v35;
	v40 =	vld [tilespmem:s23+$0x70]  }
0x52: {  	vm0 =	vgt.f32 v30, v21;
	v12 =	vmul.f32 v32, v12;
	vm1 =	vgt.f32 v34, v22;
	v35 =	vld [tilespmem:s23+$0x7D60]  }
0x53: {  	v22 =	vsel vm1, v34, v22;
	vm2 =	vgt.f32 v31, v16;
	v32 =	vmul.f32 v26, v33;
	v26 =	vld [tilespmem:s23+$0x7D50]  }
0x54: {  	v18 =	vsel vm1, v42, v18;
	vm3 =	vgt.f32 v12, v23;
	v16 =	vsel vm2, v31, v16;
	v33 =	vld [tilespmem:s23+$0x7D30]  }
0x55: {  	v14 =	vsel vm2, v36, v14;
	v11 =	vmul.f32 v27, v11;
	vm1 =	vgt.f32 v32, v13;
	v42 =	vld [tilespmem:s23+$0x30]  }
0x56: {  	v20 =	vsel vm3, v38, v20;
	v13 =	vsel vm1, v32, v13;
	v31 =	vld [tilespmem:s23+$0x7D40];
	v34 =	vmul.f32 v37, v40  }
0x57: {  	v21 =	vsel vm0, v30, v21;
	v23 =	vsel vm3, v12, v23;
	v9 =	vsel vm1, v39, v9;
	v38 =	vld [tilespmem:s23+$0x7D10];
	v27 =	vmovc v35  }
0x58: {  	v19 =	vsel vm0, v29, v19;
	vm0 =	vgt.f32 v11, v10;
	v30 =	vld [tilespmem:s23+$0x10];
	vm1 =	vgt.f32 v34, v24  }
0x59: {  	v10 =	vsel vm0, v11, v10;
	v32 =	vld [tilespmem:s23+$0x7D00];
	v24 =	vsel vm1, v34, v24;
	v25 =	vsel vm1, v41, v25  }
.Ltmp0:
0x5a: {  	v8 =	vsel vm0, v28, v8;
	v34 =	vld [tilespmem:s23+$0x7D20];
	(pc) =	sbr.rel @p0 .LBB2_3-.Ltmp0, $4  }
0x5b: {  	v36 =	vld [tilespmem:s23+$0x20]  }
0x5c: {  	v37 =	vmul.f32 v33, v42;
	v35 =	vld [tilespmem:s23+$0x40]  }
0x5d: {  	v28 =	vor.u32 s22, v6;
	v12 =	vld [tilespmem:s23+$0x0];
	v30 =	vmul.f32 v38, v30  }
0x5e: {  	v29 =	vor.u32 s22, v1;
	s4 =	smov.u32 s14;
	v11 =	vor.u32 s22, v3;
	vm0 =	vgt.f32 v37, v17;
	v33 =	vld [tilespmem:s23+$0x50]  }
0x5f: {  	p0 =	seq.s32 s15, $0x18  }
0x60: {  	s4 =	sadd.s32 @!p0 s17, s24  }
0x61: {  	s4 =	smul.u32 @!p0 $0x320, s4;
	_ =	sdelay $0x1  }
0x62: {  	s22 =	simm.s32 @!p0 $0x0;
	s14 =	sadd.s32 @!p0 s0, s4  }
0x63: {  	v38 =	vld [tilespmem:s23+$0x60];
	[tilespmem:s22], [sflag:$0x1] =	stream.linear.gather @!p0 [hbm4b:s14+s22], $0x1900, $0x38  }
0x64: {  	s4 =	sadd.s32 @!p0 s3, s4;
	s14 =	simm.s32 @!p0 $0x7D00  }
0x65: {  	[tilespmem:s14], [sflag:$0x6] =	stream.linear.gather @!p0 [hbm4b:s4+s22], $0x1900, $0x38;
	[tilespmem:$0xFB00] =	vst v63  }
0x66: {  	_ =	swait.ge [sflag:s31], $0x1900  }
0x67: {  	[sflag:s31] =	ssyncset.done $0x0  }
0x68: {  	[sflag:s31] =	ssyncadd.s32 $0xFFFFE700  }
0x69: {  	_ =	swait.ge [sflag:s1], $0x1900  }
0x6a: {  	[sflag:s1] =	ssyncset.done $0x0  }
0x6b: {  	s23 =	simm.s32 $0x0;
	[sflag:s1] =	ssyncadd.s32 $0xFFFFE700  }
0x6c: {  	v39 =	vld [tilespmem:s23+$0x9670]  }
0x6d: {  	v17 =	vsel vm0, v37, v17;
	v58 =	vld [tilespmem:s23+$0x1970]  }
0x6e: {  	v15 =	vsel vm0, v11, v15;
	v59 =	vor.u32 s21, v2;
	v34 =	vmul.f32 v34, v36;
	v11 =	vld [tilespmem:s23+$0x9660]  }
0x6f: {  	v61 =	vor.u32 s21, v4;
	v31 =	vmul.f32 v31, v35;
	v32 =	vmul.f32 v32, v12;
	v12 =	vld [tilespmem:s23+$0x9650]  }
0x70: {  	v62 =	vor.u32 s21, v0;
	vm2 =	vgt.f32 v30, v21;
	vm0 =	vgt.f32 v34, v22;
	v60 =	vld [tilespmem:s23+$0x9630]  }
0x71: {  	v37 =	vor.u32 s5, v3;
	v22 =	vsel vm0, v34, v22;
	vm1 =	vgt.f32 v31, v16;
	v40 =	vld [tilespmem:s23+$0x1930]  }
0x72: {  	v18 =	vsel vm0, v59, v18;
	v33 =	vmul.f32 v26, v33;
	v16 =	vsel vm1, v31, v16;
	v31 =	vld [tilespmem:s23+$0x9640]  }
0x73: {  	v26 =	vsel vm1, v61, v14;
	vm0 =	vgt.f32 v32, v23;
	v38 =	vmul.f32 v27, v38;
	v41 =	vld [tilespmem:s23+$0x9610]  }
0x74: {  	vm1 =	vgt.f32 v33, v13;
	v27 =	vsel vm0, v62, v20;
	v14 =	vsel vm0, v32, v23;
	v63 =	vld [tilespmem:s23+$0x1910]  }
0x75: {  	v23 =	vor.u32 s21, v5;
	v20 =	vsel vm1, v33, v13;
	v13 =	vsel vm2, v30, v21;
	v33 =	vld [tilespmem:s23+$0x9600]  }
0x76: {  	v9 =	vsel vm1, v23, v9;
	vm0 =	vgt.f32 v38, v10;
	v34 =	vld [tilespmem:s23+$0x9620];
	v30 =	vmul.f32 v39, v58  }
0x77: {  	v21 =	vsel vm2, v29, v19;
	v23 =	vsel vm0, v38, v10;
	v28 =	vsel vm0, v28, v8;
	v35 =	vld [tilespmem:s23+$0x1920]  }
0x78: {  	v10 =	vor.u32 s5, v7;
	v8 =	vld [tilespmem:s23+$0x1940];
	v36 =	vmul.f32 v60, v40;
	vm0 =	vgt.f32 v30, v24  }
0x79: {  	v29 =	vor.u32 s5, v6;
	v19 =	vsel vm0, v30, v24;
	v24 =	vsel vm0, v10, v25;
	v10 =	vld [tilespmem:s23+$0x1900]  }
0x7a: {  	s21 =	smov.u32 s5;
	s14 =	simm.s32 $0x200;
	s22 =	smov.u32 s5;
	v32 =	vmul.f32 v41, v63;
	v30 =	vor.u32 s5, v1;
	vm0 =	vgt.f32 v36, v17;
	v25 =	vld [tilespmem:s23+$0x1950]  }
.LBB2_5:
0x7b: {  	s4 =	smov.u32 s14  }
0x7c: {  	v38 =	vor.u32 s21, v0;
	v17 =	vsel vm0, v36, v17;
	v15 =	vsel vm0, v37, v15;
	v36 =	vld [tilespmem:s23+$0x1960];
	s23 =	sshra.s32 s14, $0x2;
	s22 =	sadd.s32 $0x80, s22;
	s4 =	sadd.s32 $0x200, s14  }
0x7d: {  	p1 =	sne.s32 s14, $0x6200;
	v39 =	vor.u32 s21, v5;
	v34 =	vmul.f32 v34, v35;
	v35 =	vor.u32 s21, v4;
	v37 =	vld [tilespmem:s23+$0x9670]  }
0x7e: {  	v42 =	vor.u32 s21, v2;
	v41 =	vor.u32 s22, v7;
	s21 =	smov.u32 s22;
	v8 =	vmul.f32 v31, v8;
	v40 =	vld [tilespmem:s23+$0x1970]  }
0x7f: {  	vm0 =	vgt.f32 v32, v13;
	v10 =	vmul.f32 v33, v10;
	vm1 =	vgt.f32 v34, v22;
	v43 =	vld [tilespmem:s23+$0x9660]  }
0x80: {  	v22 =	vsel vm1, v34, v22;
	vm2 =	vgt.f32 v8, v16;
	v25 =	vmul.f32 v12, v25;
	v12 =	vld [tilespmem:s23+$0x9650]  }
0x81: {  	v18 =	vsel vm1, v42, v18;
	vm3 =	vgt.f32 v10, v14;
	v16 =	vsel vm2, v8, v16;
	v44 =	vld [tilespmem:s23+$0x9630]  }
0x82: {  	v26 =	vsel vm2, v35, v26;
	v34 =	vmul.f32 v11, v36;
	vm1 =	vgt.f32 v25, v20;
	v8 =	vld [tilespmem:s23+$0x1930]  }
0x83: {  	v27 =	vsel vm3, v38, v27;
	v20 =	vsel vm1, v25, v20;
	v31 =	vld [tilespmem:s23+$0x9640];
	v35 =	vmul.f32 v37, v40  }
0x84: {  	v13 =	vsel vm0, v32, v13;
	v14 =	vsel vm3, v10, v14;
	v9 =	vsel vm1, v39, v9;
	v25 =	vld [tilespmem:s23+$0x9610];
	v11 =	vmovc v43  }
0x85: {  	v21 =	vsel vm0, v30, v21;
	vm0 =	vgt.f32 v34, v23;
	v32 =	vld [tilespmem:s23+$0x1910];
	vm1 =	vgt.f32 v35, v19  }
0x86: {  	v23 =	vsel vm0, v34, v23;
	v33 =	vld [tilespmem:s23+$0x9600];
	v19 =	vsel vm1, v35, v19;
	v24 =	vsel vm1, v41, v24  }
.Ltmp1:
0x87: {  	v28 =	vsel vm0, v29, v28;
	v34 =	vld [tilespmem:s23+$0x9620];
	(pc) =	sbr.rel @p1 .LBB2_5-.Ltmp1, $4  }
0x88: {  	v35 =	vld [tilespmem:s23+$0x1920]  }
0x89: {  	v36 =	vmul.f32 v44, v8;
	v8 =	vld [tilespmem:s23+$0x1940]  }
0x8a: {  	v29 =	vor.u32 s22, v6;
	v10 =	vld [tilespmem:s23+$0x1900];
	v32 =	vmul.f32 v25, v32  }
0x8b: {  	v30 =	vor.u32 s22, v1;
	s14 =	smov.u32 s4;
	v37 =	vor.u32 s22, v3;
	vm0 =	vgt.f32 v36, v17;
	v25 =	vld [tilespmem:s23+$0x1950]  }
0x8c: {  	s4 =	sadd.s32 @!p0 s18, s24  }
0x8d: {  	s4 =	smul.u32 @!p0 $0x320, s4;
	_ =	sdelay $0x1  }
0x8e: {  	v38 =	vld [tilespmem:s23+$0x1960];
	s22 =	simm.s32 @!p0 $0x0;
	s23 =	simm.s32 @!p0 $0x1900;
	s14 =	sadd.s32 @!p0 s0, s4  }
0x8f: {  	[tilespmem:s23], [sflag:$0x2] =	stream.linear.gather @!p0 [hbm4b:s14+s22], $0x1900, $0x38;
	[tilespmem:$0xFB00] =	vst v63  }
0x90: {  	s4 =	sadd.s32 @!p0 s3, s4;
	s14 =	simm.s32 @!p0 $0x9600  }
0x91: {  	[tilespmem:s14], [sflag:$0x7] =	stream.linear.gather @!p0 [hbm4b:s4+s22], $0x1900, $0x38;
	[tilespmem:$0xFB00] =	vst v63  }
0x92: {  	_ =	swait.ge [sflag:s2], $0x1900  }
0x93: {  	[sflag:s2] =	ssyncset.done $0x0  }
0x94: {  	[sflag:s2] =	ssyncadd.s32 $0xFFFFE700  }
0x95: {  	_ =	swait.ge [sflag:s6], $0x1900  }
0x96: {  	[sflag:s6] =	ssyncset.done $0x0  }
0x97: {  	s23 =	simm.s32 $0x0;
	[sflag:s6] =	ssyncadd.s32 $0xFFFFE700  }
0x98: {  	v39 =	vld [tilespmem:s23+$0xAF70]  }
0x99: {  	v17 =	vsel vm0, v36, v17;
	v55 =	vld [tilespmem:s23+$0x3270]  }
0x9a: {  	v15 =	vsel vm0, v37, v15;
	v34 =	vmul.f32 v34, v35;
	v31 =	vmul.f32 v31, v8;
	v8 =	vld [tilespmem:s23+$0xAF60]  }
0x9b: {  	v56 =	vor.u32 s21, v2;
	v58 =	vor.u32 s21, v4;
	v33 =	vmul.f32 v33, v10;
	v10 =	vld [tilespmem:s23+$0xAF50]  }
0x9c: {  	v40 =	vor.u32 s21, v0;
	vm2 =	vgt.f32 v32, v13;
	vm0 =	vgt.f32 v34, v22;
	v57 =	vld [tilespmem:s23+$0xAF30]  }
0x9d: {  	v37 =	vor.u32 s7, v3;
	v22 =	vsel vm0, v34, v22;
	vm1 =	vgt.f32 v31, v16;
	v59 =	vld [tilespmem:s23+$0x3230]  }
0x9e: {  	v18 =	vsel vm0, v56, v18;
	v12 =	vmul.f32 v12, v25;
	v16 =	vsel vm1, v31, v16;
	v31 =	vld [tilespmem:s23+$0xAF40]  }
0x9f: {  	v25 =	vsel vm1, v58, v26;
	vm0 =	vgt.f32 v33, v14;
	v60 =	vmul.f32 v11, v38;
	v61 =	vld [tilespmem:s23+$0xAF10]  }
0xa0: {  	vm1 =	vgt.f32 v12, v20;
	v26 =	vsel vm0, v40, v27;
	v14 =	vsel vm0, v33, v14;
	v62 =	vld [tilespmem:s23+$0x3210]  }
0xa1: {  	v27 =	vor.u32 s21, v5;
	v20 =	vsel vm1, v12, v20;
	v12 =	vsel vm2, v32, v13;
	v11 =	vld [tilespmem:s23+$0xAF00]  }
0xa2: {  	v13 =	vsel vm1, v27, v9;
	vm0 =	vgt.f32 v60, v23;
	v9 =	vld [tilespmem:s23+$0xAF20];
	v63 =	vmul.f32 v39, v55  }
0xa3: {  	v21 =	vsel vm2, v30, v21;
	v23 =	vsel vm0, v60, v23;
	v27 =	vsel vm0, v29, v28;
	v35 =	vld [tilespmem:s23+$0x3220]  }
0xa4: {  	v28 =	vor.u32 s7, v7;
	v34 =	vld [tilespmem:s23+$0x3240];
	v36 =	vmul.f32 v57, v59;
	vm0 =	vgt.f32 v63, v19  }
0xa5: {  	v29 =	vor.u32 s7, v1;
	v32 =	vld [tilespmem:s23+$0x3200];
	v30 =	vmul.f32 v61, v62;
	v19 =	vsel vm0, v63, v19  }
0xa6: {  	s14 =	simm.s32 $0x200;
	s21 =	smov.u32 s7;
	s22 =	smov.u32 s7;
	v33 =	vld [tilespmem:s23+$0x3250];
	v24 =	vsel vm0, v28, v24;
	v28 =	vor.u32 s7, v6;
	vm0 =	vgt.f32 v36, v17  }
.LBB2_7:
0xa7: {  	s4 =	smov.u32 s14  }
0xa8: {  	v38 =	vor.u32 s21, v0;
	v17 =	vsel vm0, v36, v17;
	v15 =	vsel vm0, v37, v15;
	v36 =	vld [tilespmem:s23+$0x3260];
	s23 =	sshra.s32 s14, $0x2;
	s22 =	sadd.s32 $0x80, s22;
	s4 =	sadd.s32 $0x200, s14  }
0xa9: {  	p1 =	sne.s32 s14, $0x6200;
	v39 =	vor.u32 s21, v5;
	v9 =	vmul.f32 v9, v35;
	v35 =	vor.u32 s21, v4;
	v37 =	vld [tilespmem:s23+$0xAF70]  }
0xaa: {  	v42 =	vor.u32 s21, v2;
	v41 =	vor.u32 s22, v7;
	s21 =	smov.u32 s22;
	v31 =	vmul.f32 v31, v34;
	v40 =	vld [tilespmem:s23+$0x3270]  }
0xab: {  	vm0 =	vgt.f32 v30, v12;
	v11 =	vmul.f32 v11, v32;
	vm1 =	vgt.f32 v9, v22;
	v34 =	vld [tilespmem:s23+$0xAF60]  }
0xac: {  	v22 =	vsel vm1, v9, v22;
	vm2 =	vgt.f32 v31, v16;
	v9 =	vmul.f32 v10, v33;
	v10 =	vld [tilespmem:s23+$0xAF50]  }
0xad: {  	v18 =	vsel vm1, v42, v18;
	vm3 =	vgt.f32 v11, v14;
	v16 =	vsel vm2, v31, v16;
	v32 =	vld [tilespmem:s23+$0xAF30]  }
0xae: {  	v25 =	vsel vm2, v35, v25;
	v35 =	vmul.f32 v8, v36;
	vm1 =	vgt.f32 v9, v20;
	v33 =	vld [tilespmem:s23+$0x3230]  }
0xaf: {  	v26 =	vsel vm3, v38, v26;
	v20 =	vsel vm1, v9, v20;
	v31 =	vld [tilespmem:s23+$0xAF40];
	v36 =	vmul.f32 v37, v40  }
0xb0: {  	v12 =	vsel vm0, v30, v12;
	v14 =	vsel vm3, v11, v14;
	v13 =	vsel vm1, v39, v13;
	v37 =	vld [tilespmem:s23+$0xAF10];
	v8 =	vmovc v34  }
0xb1: {  	v21 =	vsel vm0, v29, v21;
	vm0 =	vgt.f32 v35, v23;
	v30 =	vld [tilespmem:s23+$0x3210];
	vm1 =	vgt.f32 v36, v19  }
0xb2: {  	v23 =	vsel vm0, v35, v23;
	v11 =	vld [tilespmem:s23+$0xAF00];
	v19 =	vsel vm1, v36, v19;
	v24 =	vsel vm1, v41, v24  }
.Ltmp2:
0xb3: {  	v27 =	vsel vm0, v28, v27;
	v9 =	vld [tilespmem:s23+$0xAF20];
	(pc) =	sbr.rel @p1 .LBB2_7-.Ltmp2, $4  }
0xb4: {  	v35 =	vld [tilespmem:s23+$0x3220]  }
0xb5: {  	v36 =	vmul.f32 v32, v33;
	v34 =	vld [tilespmem:s23+$0x3240]  }
0xb6: {  	v28 =	vor.u32 s22, v6;
	v32 =	vld [tilespmem:s23+$0x3200];
	v30 =	vmul.f32 v37, v30  }
0xb7: {  	v29 =	vor.u32 s22, v1;
	s14 =	smov.u32 s4;
	vm0 =	vgt.f32 v36, v17;
	v37 =	vor.u32 s22, v3;
	v33 =	vld [tilespmem:s23+$0x3250]  }
0xb8: {  	s4 =	sadd.s32 @!p0 s19, s24  }
0xb9: {  	s4 =	smul.u32 @!p0 $0x320, s4;
	_ =	sdelay $0x1  }
0xba: {  	v38 =	vld [tilespmem:s23+$0x3260];
	s22 =	simm.s32 @!p0 $0x0;
	s23 =	simm.s32 @!p0 $0x3200;
	s14 =	sadd.s32 @!p0 s0, s4  }
0xbb: {  	[tilespmem:s23], [sflag:$0x3] =	stream.linear.gather @!p0 [hbm4b:s14+s22], $0x1900, $0x38;
	[tilespmem:$0xFB00] =	vst v63  }
0xbc: {  	s4 =	sadd.s32 @!p0 s3, s4;
	s14 =	simm.s32 @!p0 $0xAF00  }
0xbd: {  	[tilespmem:s14], [sflag:$0x8] =	stream.linear.gather @!p0 [hbm4b:s4+s22], $0x1900, $0x38;
	[tilespmem:$0xFB00] =	vst v63  }
0xbe: {  	_ =	swait.ge [sflag:s8], $0x1900  }
0xbf: {  	[sflag:s8] =	ssyncset.done $0x0  }
0xc0: {  	[sflag:s8] =	ssyncadd.s32 $0xFFFFE700  }
0xc1: {  	_ =	swait.ge [sflag:s9], $0x1900  }
0xc2: {  	[sflag:s9] =	ssyncset.done $0x0  }
0xc3: {  	s23 =	simm.s32 $0x0;
	[sflag:s9] =	ssyncadd.s32 $0xFFFFE700  }
0xc4: {  	v39 =	vld [tilespmem:s23+$0xC870]  }
0xc5: {  	v17 =	vsel vm0, v36, v17;
	v40 =	vld [tilespmem:s23+$0x4B70]  }
0xc6: {  	v15 =	vsel vm0, v37, v15;
	v55 =	vor.u32 s21, v2;
	v35 =	vmul.f32 v9, v35;
	v9 =	vld [tilespmem:s23+$0xC860]  }
0xc7: {  	v57 =	vor.u32 s21, v4;
	v31 =	vmul.f32 v31, v34;
	v32 =	vmul.f32 v11, v32;
	v11 =	vld [tilespmem:s23+$0xC850]  }
0xc8: {  	v59 =	vor.u32 s21, v0;
	vm2 =	vgt.f32 v30, v12;
	vm0 =	vgt.f32 v35, v22;
	v56 =	vld [tilespmem:s23+$0xC830]  }
0xc9: {  	v21 =	vsel vm2, v29, v21;
	v22 =	vsel vm0, v35, v22;
	vm1 =	vgt.f32 v31, v16;
	v58 =	vld [tilespmem:s23+$0x4B30]  }
0xca: {  	v18 =	vsel vm0, v55, v18;
	v33 =	vmul.f32 v10, v33;
	v10 =	vsel vm1, v31, v16;
	v31 =	vld [tilespmem:s23+$0xC840]  }
0xcb: {  	v16 =	vsel vm1, v57, v25;
	vm0 =	vgt.f32 v32, v14;
	v60 =	vmul.f32 v8, v38;
	v61 =	vld [tilespmem:s23+$0xC810]  }
0xcc: {  	v8 =	vsel vm2, v30, v12;
	vm1 =	vgt.f32 v33, v20;
	v25 =	vsel vm0, v59, v26;
	v62 =	vld [tilespmem:s23+$0x4B10]  }
0xcd: {  	v14 =	vsel vm0, v32, v14;
	v26 =	vor.u32 s21, v5;
	v32 =	vor.u32 s12, v1;
	v30 =	vld [tilespmem:s23+$0xC800]  }
0xce: {  	v20 =	vsel vm1, v33, v20;
	vm0 =	vgt.f32 v60, v23;
	v29 =	vld [tilespmem:s23+$0xC820];
	v63 =	vmul.f32 v39, v40  }
0xcf: {  	v12 =	vsel vm1, v26, v13;
	v23 =	vsel vm0, v60, v23;
	v26 =	vsel vm0, v28, v27;
	v36 =	vld [tilespmem:s23+$0x4B20]  }
0xd0: {  	v27 =	vor.u32 s12, v7;
	v35 =	vld [tilespmem:s23+$0x4B40];
	v37 =	vmul.f32 v56, v58;
	vm0 =	vgt.f32 v63, v19  }
0xd1: {  	v28 =	vor.u32 s12, v6;
	v34 =	vld [tilespmem:s23+$0x4B50];
	v33 =	vmul.f32 v61, v62;
	v13 =	vsel vm0, v63, v19  }
0xd2: {  	s14 =	simm.s32 $0x200;
	s21 =	smov.u32 s12;
	s22 =	smov.u32 s12;
	v19 =	vsel vm0, v27, v24;
	v27 =	vld [tilespmem:s23+$0x4B00];
	v24 =	vor.u32 s12, v3;
	vm0 =	vgt.f32 v37, v17  }
.LBB2_9:
0xd3: {  	s4 =	smov.u32 s14  }
0xd4: {  	v38 =	vor.u32 s21, v0;
	v17 =	vsel vm0, v37, v17;
	v15 =	vsel vm0, v24, v15;
	v24 =	vld [tilespmem:s23+$0x4B60];
	s23 =	sshra.s32 s14, $0x2;
	s22 =	sadd.s32 $0x80, s22;
	s4 =	sadd.s32 $0x200, s14  }
0xd5: {  	p1 =	sne.s32 s14, $0x6200;
	v39 =	vor.u32 s21, v5;
	v29 =	vmul.f32 v29, v36;
	v36 =	vor.u32 s21, v4;
	v37 =	vld [tilespmem:s23+$0xC870]  }
0xd6: {  	v42 =	vor.u32 s21, v2;
	v41 =	vor.u32 s22, v7;
	s21 =	smov.u32 s22;
	v31 =	vmul.f32 v31, v35;
	v40 =	vld [tilespmem:s23+$0x4B70]  }
0xd7: {  	vm0 =	vgt.f32 v33, v8;
	v27 =	vmul.f32 v30, v27;
	vm1 =	vgt.f32 v29, v22;
	v35 =	vld [tilespmem:s23+$0xC860]  }
0xd8: {  	v22 =	vsel vm1, v29, v22;
	vm2 =	vgt.f32 v31, v10;
	v29 =	vmul.f32 v11, v34;
	v11 =	vld [tilespmem:s23+$0xC850]  }
0xd9: {  	v18 =	vsel vm1, v42, v18;
	vm3 =	vgt.f32 v27, v14;
	v10 =	vsel vm2, v31, v10;
	v34 =	vld [tilespmem:s23+$0xC830]  }
0xda: {  	v16 =	vsel vm2, v36, v16;
	v24 =	vmul.f32 v9, v24;
	vm1 =	vgt.f32 v29, v20;
	v42 =	vld [tilespmem:s23+$0x4B30]  }
0xdb: {  	v25 =	vsel vm3, v38, v25;
	v20 =	vsel vm1, v29, v20;
	v31 =	vld [tilespmem:s23+$0xC840];
	v36 =	vmul.f32 v37, v40  }
0xdc: {  	v8 =	vsel vm0, v33, v8;
	v14 =	vsel vm3, v27, v14;
	v12 =	vsel vm1, v39, v12;
	v38 =	vld [tilespmem:s23+$0xC810];
	v9 =	vmovc v35  }
0xdd: {  	v21 =	vsel vm0, v32, v21;
	vm0 =	vgt.f32 v24, v23;
	v33 =	vld [tilespmem:s23+$0x4B10];
	vm1 =	vgt.f32 v36, v13  }
0xde: {  	v23 =	vsel vm0, v24, v23;
	v30 =	vld [tilespmem:s23+$0xC800];
	v13 =	vsel vm1, v36, v13;
	v19 =	vsel vm1, v41, v19  }
.Ltmp3:
0xdf: {  	v26 =	vsel vm0, v28, v26;
	v29 =	vld [tilespmem:s23+$0xC820];
	(pc) =	sbr.rel @p1 .LBB2_9-.Ltmp3, $4  }
0xe0: {  	v36 =	vld [tilespmem:s23+$0x4B20]  }
0xe1: {  	v37 =	vmul.f32 v34, v42;
	v35 =	vld [tilespmem:s23+$0x4B40]  }
0xe2: {  	v28 =	vor.u32 s22, v6;
	v27 =	vld [tilespmem:s23+$0x4B00];
	v33 =	vmul.f32 v38, v33  }
0xe3: {  	v32 =	vor.u32 s22, v1;
	s14 =	smov.u32 s4;
	v24 =	vor.u32 s22, v3;
	vm0 =	vgt.f32 v37, v17;
	v34 =	vld [tilespmem:s23+$0x4B50]  }
0xe4: {  	s4 =	sadd.s32 @!p0 s20, s24  }
0xe5: {  	s4 =	smul.u32 @!p0 $0x320, s4;
	_ =	sdelay $0x1  }
0xe6: {  	v38 =	vld [tilespmem:s23+$0x4B60];
	s22 =	simm.s32 @!p0 $0x0;
	s23 =	simm.s32 @!p0 $0x4B00;
	s14 =	sadd.s32 @!p0 s0, s4  }
0xe7: {  	[tilespmem:s23], [sflag:$0x4] =	stream.linear.gather @!p0 [hbm4b:s14+s22], $0x1900, $0x38;
	[tilespmem:$0xFB00] =	vst v63  }
0xe8: {  	s4 =	sadd.s32 @!p0 s3, s4;
	s14 =	simm.s32 @!p0 $0xC800  }
0xe9: {  	[tilespmem:s14], [sflag:$0x9] =	stream.linear.gather @!p0 [hbm4b:s4+s22], $0x1900, $0x38;
	[tilespmem:$0xFB00] =	vst v63  }
0xea: {  	_ =	swait.ge [sflag:s10], $0x1900  }
0xeb: {  	[sflag:s10] =	ssyncset.done $0x0  }
0xec: {  	[sflag:s10] =	ssyncadd.s32 $0xFFFFE700  }
0xed: {  	_ =	swait.ge [sflag:s11], $0x1900  }
0xee: {  	[sflag:s11] =	ssyncset.done $0x0  }
0xef: {  	s24 =	simm.s32 $0x0;
	[sflag:s11] =	ssyncadd.s32 $0xFFFFE700  }
0xf0: {  	v39 =	vld [tilespmem:s24+$0xE170]  }
0xf1: {  	v29 =	vmul.f32 v29, v36;
	v58 =	vld [tilespmem:s24+$0x6470]  }
0xf2: {  	v17 =	vsel vm0, v37, v17;
	v15 =	vsel vm0, v24, v15;
	v59 =	vor.u32 s21, v2;
	v24 =	vld [tilespmem:s24+$0xE160]  }
0xf3: {  	v31 =	vmul.f32 v31, v35;
	v30 =	vmul.f32 v30, v27;
	vm0 =	vgt.f32 v29, v22;
	v27 =	vld [tilespmem:s24+$0xE150]  }
0xf4: {  	vm2 =	vgt.f32 v33, v8;
	v37 =	vor.u32 s25, v3;
	v22 =	vsel vm0, v29, v22;
	v60 =	vld [tilespmem:s24+$0xE130]  }
0xf5: {  	vm1 =	vgt.f32 v31, v10;
	v18 =	vsel vm0, v59, v18;
	v29 =	vor.u32 s21, v4;
	v61 =	vld [tilespmem:s24+$0x6430]  }
0xf6: {  	v11 =	vmul.f32 v11, v34;
	v10 =	vsel vm1, v31, v10;
	v29 =	vsel vm1, v29, v16;
	v16 =	vld [tilespmem:s24+$0xE140]  }
0xf7: {  	v31 =	vor.u32 s21, v0;
	vm0 =	vgt.f32 v30, v14;
	v62 =	vmul.f32 v9, v38;
	v63 =	vld [tilespmem:s24+$0xE110]  }
0xf8: {  	vm1 =	vgt.f32 v11, v20;
	v9 =	vsel vm0, v31, v25;
	v30 =	vsel vm0, v30, v14;
	v40 =	vld [tilespmem:s24+$0x6410]  }
0xf9: {  	v31 =	vsel vm2, v33, v8;
	v8 =	vsel vm2, v32, v21;
	v14 =	vld [tilespmem:s24+$0xE100];
	v36 =	vmul.f32 v39, v58  }
0xfa: {  	v25 =	vsel vm1, v11, v20;
	v11 =	vor.u32 s21, v5;
	vm0 =	vgt.f32 v62, v23;
	v20 =	vld [tilespmem:s24+$0xE120]  }
0xfb: {  	v32 =	vsel vm0, v62, v23;
	v26 =	vsel vm0, v28, v26;
	v35 =	vld [tilespmem:s24+$0x6420];
	vm0 =	vgt.f32 v36, v13  }
0xfc: {  	v33 =	vsel vm1, v11, v12;
	v23 =	vld [tilespmem:s24+$0x6440];
	v12 =	vsel vm0, v36, v13;
	v36 =	vmul.f32 v60, v61  }
0xfd: {  	v11 =	vor.u32 s25, v7;
	v28 =	vor.u32 s25, v6;
	v34 =	vld [tilespmem:s24+$0x6450];
	v21 =	vmul.f32 v63, v40  }
0xfe: {  	s14 =	simm.s32 $0x200;
	s22 =	smov.u32 s25;
	s21 =	smov.u32 s25;
	v11 =	vsel vm0, v11, v19;
	v13 =	vld [tilespmem:s24+$0x6400];
	v19 =	vor.u32 s25, v1;
	vm0 =	vgt.f32 v36, v17  }
.LBB2_11:
0xff: {  	s4 =	smov.u32 s14  }
0x100: {  	v38 =	vor.u32 s21, v0;
	v17 =	vsel vm0, v36, v17;
	v15 =	vsel vm0, v37, v15;
	v36 =	vld [tilespmem:s24+$0x6460];
	s24 =	sshra.s32 s14, $0x2;
	s22 =	sadd.s32 $0x80, s22;
	s4 =	sadd.s32 $0x200, s14  }
0x101: {  	p0 =	sne.s32 s14, $0x6200;
	v39 =	vor.u32 s21, v5;
	v20 =	vmul.f32 v20, v35;
	v35 =	vor.u32 s21, v4;
	v37 =	vld [tilespmem:s24+$0xE170]  }
0x102: {  	v42 =	vor.u32 s21, v2;
	v41 =	vor.u32 s22, v7;
	s21 =	smov.u32 s22;
	v16 =	vmul.f32 v16, v23;
	v40 =	vld [tilespmem:s24+$0x6470]  }
0x103: {  	vm0 =	vgt.f32 v21, v31;
	v13 =	vmul.f32 v14, v13;
	vm1 =	vgt.f32 v20, v22;
	v23 =	vld [tilespmem:s24+$0xE160]  }
0x104: {  	v22 =	vsel vm1, v20, v22;
	vm2 =	vgt.f32 v16, v10;
	v14 =	vmul.f32 v27, v34;
	v27 =	vld [tilespmem:s24+$0xE150]  }
0x105: {  	v18 =	vsel vm1, v42, v18;
	vm3 =	vgt.f32 v13, v30;
	v10 =	vsel vm2, v16, v10;
	v34 =	vld [tilespmem:s24+$0xE130]  }
0x106: {  	v29 =	vsel vm2, v35, v29;
	v20 =	vmul.f32 v24, v36;
	vm1 =	vgt.f32 v14, v25;
	v42 =	vld [tilespmem:s24+$0x6430]  }
0x107: {  	v9 =	vsel vm3, v38, v9;
	v25 =	vsel vm1, v14, v25;
	v16 =	vld [tilespmem:s24+$0xE140];
	v35 =	vmul.f32 v37, v40  }
0x108: {  	v31 =	vsel vm0, v21, v31;
	v30 =	vsel vm3, v13, v30;
	v33 =	vsel vm1, v39, v33;
	v37 =	vld [tilespmem:s24+$0xE110];
	v24 =	vmovc v23  }
0x109: {  	v8 =	vsel vm0, v19, v8;
	vm0 =	vgt.f32 v20, v32;
	v21 =	vld [tilespmem:s24+$0x6410];
	vm1 =	vgt.f32 v35, v12  }
0x10a: {  	v32 =	vsel vm0, v20, v32;
	v14 =	vld [tilespmem:s24+$0xE100];
	v12 =	vsel vm1, v35, v12;
	v11 =	vsel vm1, v41, v11  }
.Ltmp4:
0x10b: {  	v26 =	vsel vm0, v28, v26;
	v20 =	vld [tilespmem:s24+$0xE120];
	(pc) =	sbr.rel @p0 .LBB2_11-.Ltmp4, $4  }
0x10c: {  	v35 =	vld [tilespmem:s24+$0x6420]  }
0x10d: {  	v36 =	vmul.f32 v34, v42;
	v23 =	vld [tilespmem:s24+$0x6440]  }
0x10e: {  	v28 =	vor.u32 s22, v6;
	v13 =	vld [tilespmem:s24+$0x6400];
	v21 =	vmul.f32 v37, v21  }
0x10f: {  	v19 =	vor.u32 s22, v1;
	s14 =	smov.u32 s4;
	vm0 =	vgt.f32 v36, v17;
	v37 =	vor.u32 s22, v3;
	v34 =	vld [tilespmem:s24+$0x6450]  }
0x110: {  	v38 =	vor.u32 s21, v0;
	v17 =	vsel vm0, v36, v17  }
0x111: {  	v15 =	vsel vm0, v37, v15;
	v61 =	vld [tilespmem:s24+$0x6460];
	v62 =	vor.u32 s21, v4;
	v20 =	vmul.f32 v20, v35  }
0x112: {  	v63 =	vor.u32 s21, v5;
	v39 =	vor.u32 s21, v2;
	vm13 =	vgt.f32 v21, v31  }
0x113: {  	s15 =	sadd.s32 $0x1, s15;
	v21 =	vsel vm13, v21, v31;
	v16 =	vmul.f32 v16, v23;
	vm1 =	vgt.f32 v20, v22  }
0x114: {  	p0 =	sne.s32 s15, $0x19;
	v19 =	vsel vm13, v19, v8;
	v23 =	vmul.f32 v14, v13;
	v22 =	vsel vm1, v20, v22  }
.Ltmp5:
0x115: {  	vm2 =	vgt.f32 v16, v10;
	v13 =	vmul.f32 v27, v34;
	v18 =	vsel vm1, v39, v18;
	(pc) =	sbr.rel @p0 .LBB2_2-.Ltmp5, $4  }
0x116: {  	vm3 =	vgt.f32 v23, v30;
	v16 =	vsel vm2, v16, v10;
	v10 =	vmul.f32 v24, v61  }
0x117: {  	v14 =	vsel vm2, v62, v29;
	vm14 =	vgt.f32 v13, v25;
	v20 =	vsel vm3, v38, v9  }
0x118: {  	s13 =	sadd.s32 $0xFA000, s13;
	s5 =	sadd.s32 $0xFA000, s5;
	v23 =	vsel vm3, v23, v30;
	v13 =	vsel vm14, v13, v25;
	vm15 =	vgt.f32 v10, v32  }
0x119: {  	s7 =	sadd.s32 $0xFA000, s7;
	s12 =	sadd.s32 $0xFA000, s12;
	s25 =	sadd.s32 $0xFA000, s25;
	v9 =	vsel vm14, v63, v33;
	v10 =	vsel vm15, v10, v32;
	v8 =	vsel vm15, v28, v26  }
0x11a: {  	vm0 =	veq.f32 v21, v23;
	vm1 =	vlt.s32 v19, v20  }
0x11b: {  	vm2 =	vgt.f32 v21, v23;
	vm0 =	vmand vm0, vm1  }
0x11c: {  	vm0 =	vmor vm2, vm0  }
0x11d: {  	v51 =	vsel vm0, v21, v23;
	v52 =	vsel vm0, v19, v20  }
0x11e: {  	vm9 =	veq.f32 v22, v51;
	vm10 =	vlt.s32 v18, v52  }
0x11f: {  	vm11 =	vgt.f32 v22, v51;
	vm0 =	vmand vm9, vm10  }
0x120: {  	vm0 =	vmor vm11, vm0  }
0x121: {  	v53 =	vsel vm0, v22, v51;
	v54 =	vsel vm0, v18, v52  }
0x122: {  	vm12 =	veq.f32 v17, v53;
	vm13 =	vlt.s32 v15, v54  }
0x123: {  	vm14 =	vgt.f32 v17, v53;
	vm0 =	vmand vm12, vm13  }
0x124: {  	vm0 =	vmor vm14, vm0  }
0x125: {  	v55 =	vsel vm0, v17, v53;
	v56 =	vsel vm0, v15, v54  }
0x126: {  	vm15 =	veq.f32 v16, v55;
	vm4 =	vlt.s32 v14, v56  }
0x127: {  	vm5 =	vgt.f32 v16, v55;
	vm0 =	vmand vm15, vm4  }
0x128: {  	vm0 =	vmor vm5, vm0  }
0x129: {  	v57 =	vsel vm0, v16, v55;
	v58 =	vsel vm0, v14, v56  }
0x12a: {  	vm6 =	veq.f32 v13, v57;
	vm7 =	vlt.s32 v9, v58  }
0x12b: {  	vm8 =	vgt.f32 v13, v57;
	vm0 =	vmand vm6, vm7  }
0x12c: {  	vm0 =	vmor vm8, vm0  }
0x12d: {  	v59 =	vsel vm0, v13, v57;
	v60 =	vsel vm0, v9, v58  }
0x12e: {  	vm9 =	veq.f32 v10, v59;
	vm10 =	vlt.s32 v8, v60  }
0x12f: {  	vm11 =	vgt.f32 v10, v59;
	vm0 =	vmand vm9, vm10  }
0x130: {  	vm0 =	vmor vm11, vm0  }
0x131: {  	v61 =	vsel vm0, v10, v59;
	v8 =	vsel vm0, v8, v60  }
0x132: {  	vm12 =	veq.f32 v12, v61;
	vm13 =	vlt.s32 v11, v8  }
0x133: {  	vm14 =	vgt.f32 v12, v61;
	vm0 =	vmand vm12, vm13  }
0x134: {  	vm0 =	vmor vm14, vm0  }
0x135: {  	v62 =	vsel vm0, v12, v61  }
0x136: {  	(xrf0) =	vmax.scan.msk.f32 $0xffff, v62;
	_ =	sdelay $0x5  }
0x137: {  	v63, _, _ =	vpop (xrf0)  }
0x138: {  	v10 =	vbroadcast v63, $0xF  }
0x139: {  	v8 =	vsel vm0, v11, v8  }
0x13a: {  	v8 =	vxor.u32 $0x80000000, v8;
	vm15 =	veq.f32 v62, v10  }
0x13b: {  	v8 =	vnsel vm15, $0xFFFFFFFF, v8  }
0x13c: {  	(xrf0) =	vmin.scan.msk.u32 $0xffff, v8;
	_ =	sdelay $0x5  }
0x13d: {  	v8, _, _ =	vpop (xrf0)  }
0x13e: {  	(v2sf) =	vpush v8, $0xF;
	_ =	sdelay $0xe  }
0x13f: {  	s4 =	spop (v2sf)  }
0x140: {  	s4 =	sxor.u32 $0x80000000, s4  }
0x141: {  	s12 =	simm.s32 $0x0;
	[tilespmem:$0xFA00] =	vst v10;
	v8 =	vmov s4  }
0x142: {  	s21 =	rddreg [dreg:$0x10];
	s5 =	simm.s32 $0xFA00;
	s22 =	simm.s32 $0xB;
	[tilespmem:$0xFA80] =	vst v8  }
0x143: {  	[hbm4b:s21+s12] =	stream.linear.scatter [tilespmem:s5], [sflag:$0xB], $0x80, $0x38;
	[tilespmem:$0xFB00] =	vst v63  }
0x144: {  	_ =	swait.ge [sflag:s22], $0x80  }
0x145: {  	[sflag:s22] =	ssyncset.done $0x0  }
0x146: {  	s7 =	simm.s32 $0xFA80;
	s23 =	rddreg [dreg:$0x11];
	[sflag:s22] =	ssyncadd.s32 $0xFFFFFF80  }
0x147: {  	[hbm4b:s23+s12] =	stream.linear.scatter [tilespmem:s7], [sflag:$0xB], $0x80, $0x38;
	[tilespmem:$0xFB00] =	vst v63  }
0x148: {  	_ =	swait.ge [sflag:s22], $0x80  }
0x149: {  	s24 =	rddreg [dreg:$0x14]  }
0x14a: {  	s25 =	rddreg [dreg:$0x12];
	s7 =	sadd.s32 $0x1, s24  }
0x14b: {  	p0 =	sne.s32 s7, s25  }
.Ltmp6:
0x14c: {  	_ = 	snop;
	(pc) =	sbr.rel @p0 .LBB2_1-.Ltmp6, $3  }
0x14d: {  	_ =	sdelay $0x1  }
0x14e: {  	[sflag:s22] =	ssyncset.done $0x0  }
0x14f: {  	[sflag:s22] =	ssyncadd.s32 $0xFFFFFF80  }
0x150: {  	_ =	sfence.sel $0x180000  }
0x151: {  	[bflag:$0x0] =	sbarrier.arrive $0xFFFF  }
0x152: {  	_ =	strace $0x90000047  }
0x153: {  	s0 =	stileid.u32;
	[bflag:$0x2] =	sbarrier.arrive $0xFFFF  }
0x154: {  	p0 =	sne.s32 s0, $0x0;
	s0 =	rddreg [dreg:$0x3]  }
0x155: {  	s0 =	sadd.s32 @!p0 $0x100000, s0  }
0x156: {  	[sflag:s0] =	ssyncadd.tile.s32 @!p0 $0x1;
	_ =	shalt  }
.Lfunc_end2:
_tile_overlayer_lowered:
.L_overlay_start_2:
0x157: {  	(tag) =	ssettag $0x2  }
0x158: {  	s0 =	rddreg [dreg:$0x0];
	s2 =	stileid.u32  }
0x159: {  	s1 =	rddreg [dreg:$0x1];
	p0 =	sne.s32 s2, $0x0  }
0x15a: {  	s3 =	rddreg [dreg:$0x2];
	[bflag:$0x3] =	sbarrier.arrive $0xFFFF;
	s2 =	simm.s32 @!p0 $0x1C0B  }
0x15b: {  	[timem:s3], [sflag:s2] =	dma.local @!p0 [hbm:s0], s1  }
0x15c: {  	s0 =	simm.s32 @!p0 $0xB  }
0x15d: {  	_ =	swait.ge @!p0 [sflag:s0], s1  }
0x15e: {  	s1 =	ssub.s32 @!p0 $0x0, s1;
	[sflag:s0] =	ssyncset.done @!p0 $0x0  }
0x15f: {  	[sflag:s0] =	ssyncadd.s32 @!p0 s1  }
0x160: {  	[bflag:$0x3] =	sbarrier.arrive $0xFFFF  }
0x161: {  	_ =	shalt  }

</sc_bundles>
